<compile_context>
chip_gen: v7x
topology: tpu7x:2x2x1
jax: 0.10.2.dev20260603
libtpu: 0.0.44.dev20260713+nightly
codegen_flags: <defaults>
</compile_context>

<pallas_src>
import jax
import jax.numpy as jnp
from jax import lax
from jax.experimental import pallas as pl
from jax.experimental.pallas import tpu as pltpu
from jax.experimental.pallas import tpu_sc as plsc

K = 3
A = 20
N_KMERS = A ** K
NBINS = 8192
LANES = 16

B, S, L = 4, 16384, 32
W = L - K + 1
NC, NS = 2, 16
NW = NC * NS
SEQ_PER_W = (B * S) // NW
ROWS_PER_GROUP = NW // B
COL_CHUNK = NBINS // ROWS_PER_GROUP


def _sc_kernel(rep_hbm, out_hbm, tbuf, hist, red_buf, acc_buf, shared, sem):
    c = lax.axis_index("c")
    s = lax.axis_index("s")
    batch = NC * c + s // ROWS_PER_GROUP
    l0 = pl.multiple_of(batch * L, L)
    seq0 = pl.multiple_of((s % ROWS_PER_GROUP) * SEQ_PER_W, SEQ_PER_W)

    cp = pltpu.async_copy(
        rep_hbm.at[pl.ds(l0, L), pl.ds(seq0, SEQ_PER_W)], tbuf, sem)

    @plsc.parallel_loop(0, NBINS, step=LANES, unroll=4)
    def zero_body(i):
        hist[pl.ds(i, LANES)] = jnp.zeros((LANES,), jnp.float32)
    cp.wait()

    ones = jnp.full((LANES,), 1.0, jnp.float32)
    lane = lax.broadcasted_iota(jnp.int32, (LANES,), 0)
    row_ids = [jnp.full((LANES,), j, jnp.int32) for j in range(L)]

    @plsc.parallel_loop(0, SEQ_PER_W, step=LANES, unroll=2)
    def grp_body(col0):
        cols = lane + col0
        v0 = plsc.load_gather(tbuf, [row_ids[0], cols])
        v1 = plsc.load_gather(tbuf, [row_ids[1], cols])
        for w in range(W):
            v2 = plsc.load_gather(tbuf, [row_ids[w + 2], cols])
            ids = (v0 * A + v1) * A + v2
            plsc.addupdate_scatter(hist, [ids], ones)
            v0, v1 = v1, v2

    pltpu.sync_copy(hist, shared.at[pl.ds(s * NBINS, NBINS)])
    plsc.subcore_barrier()

    rgroup = s // ROWS_PER_GROUP
    col0 = (s % ROWS_PER_GROUP) * COL_CHUNK
    for r in range(ROWS_PER_GROUP):
        pltpu.sync_copy(
            shared.at[pl.ds((rgroup * ROWS_PER_GROUP + r) * NBINS + col0,
                            COL_CHUNK)],
            red_buf.at[pl.ds(r * COL_CHUNK, COL_CHUNK)])

    @plsc.parallel_loop(0, COL_CHUNK, step=LANES, unroll=4)
    def red_body(j):
        acc = red_buf[pl.ds(j, LANES)]
        for r in range(1, ROWS_PER_GROUP):
            acc = acc + red_buf[pl.ds(r * COL_CHUNK + j, LANES)]
        acc_buf[pl.ds(j, LANES)] = acc

    out_batch = NC * c + rgroup
    pltpu.sync_copy(acc_buf,
                    out_hbm.at[pl.ds(out_batch * NBINS + col0, COL_CHUNK)])


@jax.jit
def kernel(repertoires):
    rep_t = repertoires.transpose(0, 2, 1).reshape(B * L, S)
    mesh = plsc.VectorSubcoreMesh(core_axis_name="c", subcore_axis_name="s")
    run = pl.kernel(
        _sc_kernel,
        mesh=mesh,
        compiler_params=pltpu.CompilerParams(needs_layout_passes=False),
        out_type=jax.ShapeDtypeStruct((B * NBINS,), jnp.float32),
        scratch_types=[
            pltpu.VMEM((L, SEQ_PER_W), jnp.int32),
            pltpu.VMEM((NBINS,), jnp.float32),
            pltpu.VMEM((ROWS_PER_GROUP * COL_CHUNK,), jnp.float32),
            pltpu.VMEM((COL_CHUNK,), jnp.float32),
            pltpu.VMEM_SHARED((NS * NBINS,), jnp.float32),
            pltpu.SemaphoreType.DMA,
        ],
    )
    out = run(rep_t)
    return out.reshape(B, NBINS)[:, :N_KMERS]

# --- scband reference (transcript-rebuilt; emitter-appended) ---
"""Pipeline reference for scband-kmer-counter-15848429322898 (READ-ONLY COPY).

The authoritative reference and input builder live on the scoring server;
editing this copy changes nothing except your own understanding.
"""

import jax, jax.numpy as jnp
import numpy as np

K = 3          # motif_length (kmer length)
A = 20         # amino-acid alphabet size
N_KMERS = A ** K


def setup_inputs(seed: int = 0) -> dict:
    key = jax.random.key(seed)
    repertoires = jax.random.randint(key, (4, 16384, 32), 0, A, dtype=jnp.int32)
    return {"repertoires": repertoires}


def reference(repertoires):
    # KmerEmbed: one-hot kmer composition per sequence -> [B, S, n_kmers]
    # KmerCounter.forward: sum over sequences (dim=1) -> [B, n_kmers] float32
    B, S, L = repertoires.shape
    W = L - K + 1
    r = repertoires.astype(jnp.int32)
    # sliding windows of length K
    idx = jnp.arange(W)[:, None] + jnp.arange(K)[None, :]          # [W, K]
    windows = r[..., idx]                                          # [B, S, W, K]
    powers = (A ** jnp.arange(K - 1, -1, -1)).astype(jnp.int32)    # [K]
    kmer_ids = jnp.sum(windows * powers, axis=-1)                  # [B, S, W]
    flat_ids = kmer_ids.reshape(B, -1)                             # [B, S*W]

    def per_rep(ids):
        return jnp.zeros((N_KMERS,), jnp.float32).at[ids].add(1.0)

    embed_rep = jax.vmap(per_rep)(flat_ids)                        # [B, n_kmers]
    return embed_rep

if __name__ == "__main__":
    import jax
    _d = setup_inputs()
    print(jax.jit(kernel)(*tuple(_d.values())))

</pallas_src>

<mosaic_0001>
#map = affine_map<(d0, d1) -> (0, 0)>
#map1 = affine_map<(d0, d1) -> (0)>
module attributes {stable_mosaic.version = 14 : i64} {
  func.func @_sc_kernel(%arg0: i32, %arg1: i32, %arg2: memref<128x16384xi32, #tpu.memory_space<hbm>>, %arg3: memref<32768xf32, #tpu.memory_space<hbm>>, %arg4: memref<32x2048xi32, #tpu.memory_space<vmem>>, %arg5: memref<8192xf32, #tpu.memory_space<vmem>>, %arg6: memref<8192xf32, #tpu.memory_space<vmem>>, %arg7: memref<1024xf32, #tpu.memory_space<vmem>>, %arg8: memref<131072xf32, #tpu.memory_space<vmem_shared>>, %arg9: memref<!tpu.dma_semaphore, #tpu.memory_space<semaphore_mem>>) attributes {dimension_semantics = [#tpu.dimension_semantics<core_parallel>, #tpu.dimension_semantics<subcore_parallel>], iteration_bounds = array<i64: 2, 16>, scalar_prefetch = 0 : i64, scratch_operands = 6 : i64, tpu.core_type = #tpu.core_type<sc_vector_subcore>, window_params = [{transform_indices = #map}, {transform_indices = #map1}]} {
    %mul3A = arith.constant 2 : i32
    %mul3A_0 = arith.muli %mul3A, %arg0 : i32
    %jit3A = arith.constant 8 : i32
    %div3A = arith.divsi %arg1, %jit3A : i32
    %sign3A = arith.constant 0 : i32
    %sign3A_1 = arith.cmpi sgt, %arg1, %sign3A : i32
    %sign3A_2 = arith.extui %sign3A_1 : i1 to i32
    %sign3A_3 = arith.constant 0 : i32
    %sign3A_4 = arith.cmpi slt, %arg1, %sign3A_3 : i32
    %sign3A_5 = arith.extui %sign3A_4 : i1 to i32
    %sign3A_6 = arith.subi %sign3A_2, %sign3A_5 : i32
    %sign3A_7 = arith.constant 0 : i32
    %sign3A_8 = arith.cmpi sgt, %jit3A, %sign3A_7 : i32
    %sign3A_9 = arith.extui %sign3A_8 : i1 to i32
    %sign3A_10 = arith.constant 0 : i32
    %sign3A_11 = arith.cmpi slt, %jit3A, %sign3A_10 : i32
    %sign3A_12 = arith.extui %sign3A_11 : i1 to i32
    %sign3A_13 = arith.subi %sign3A_9, %sign3A_12 : i32
    %ne3A = arith.cmpi ne, %sign3A_6, %sign3A_13 : i32
    %rem3A = arith.remsi %arg1, %jit3A : i32
    %ne3A_14 = arith.constant 0 : i32
    %ne3A_15 = arith.cmpi ne, %rem3A, %ne3A_14 : i32
    %and3A = arith.andi %ne3A, %ne3A_15 : i1
    %sub3A = arith.constant 1 : i32
    %sub3A_16 = arith.subi %div3A, %sub3A : i32
    %select_n3A = arith.select %and3A, %sub3A_16, %div3A : i32
    %add3A = arith.addi %mul3A_0, %select_n3A : i32
    %mul3A_17 = arith.constant 32 : i32
    %mul3A_18 = arith.muli %add3A, %mul3A_17 : i32
    %multiple_of3A = tpu.assume_multiple %mul3A_18, 32 : i32
    %jit3A_19 = arith.constant 8 : i32
    %eq3A = arith.constant 0 : i32
    %eq3A_20 = arith.cmpi eq, %jit3A_19, %eq3A : i32
    %jit3A_21 = arith.constant 1 : i32
    %select_n3A_22 = arith.select %eq3A_20, %jit3A_21, %jit3A_19 : i32
    %rem3A_23 = arith.remsi %arg1, %select_n3A_22 : i32
    %ne3A_24 = arith.constant 0 : i32
    %ne3A_25 = arith.cmpi ne, %rem3A_23, %ne3A_24 : i32
    %lt3A = arith.constant 0 : i32
    %lt3A_26 = arith.cmpi slt, %rem3A_23, %lt3A : i32
    %lt3A_27 = arith.constant 0 : i32
    %lt3A_28 = arith.cmpi slt, %select_n3A_22, %lt3A_27 : i32
    %ne3A_29 = arith.xori %lt3A_26, %lt3A_28 : i1
    %and3A_30 = arith.andi %ne3A_29, %ne3A_25 : i1
    %add3A_31 = arith.addi %rem3A_23, %select_n3A_22 : i32
    %select_n3A_32 = arith.select %and3A_30, %add3A_31, %rem3A_23 : i32
    %mul3A_33 = arith.constant 2048 : i32
    %mul3A_34 = arith.muli %select_n3A_32, %mul3A_33 : i32
    %multiple_of3A_35 = tpu.assume_multiple %mul3A_34, 2048 : i32
    %dma_start3A = tpu.memref_slice %arg2[%multiple_of3A, %multiple_of3A_35] : memref<128x16384xi32, #tpu.memory_space<hbm>> -> memref<32x2048xi32, #tpu.memory_space<hbm>>
    %dma_start3A_36 = tpu.memref_slice %arg2[%multiple_of3A, %multiple_of3A_35] : memref<128x16384xi32, #tpu.memory_space<hbm>> -> memref<32x2048xi32, #tpu.memory_space<hbm>>
    tpu.enqueue_dma source(%dma_start3A_36 : memref<32x2048xi32, #tpu.memory_space<hbm>>) target(%arg4 : memref<32x2048xi32, #tpu.memory_space<vmem>>) target_semaphore(%arg9 : memref<!tpu.dma_semaphore, #tpu.memory_space<semaphore_mem>>)
    %parallel_loop3A = arith.constant 0 : i32
    %parallel_loop3A_37 = arith.constant 8192 : i32
    %parallel_loop3A_38 = arith.constant 16 : i32
    scf.for %parallel_loop3A_217 = %parallel_loop3A to %parallel_loop3A_37 step %parallel_loop3A_38  : i32 {
      %parallel_loop3A_218 = arith.constant 0.000000e+00 : f32
      %parallel_loop3A_219 = vector.broadcast %parallel_loop3A_218 : f32 to vector<16xf32>
      %parallel_loop3A_220 = arith.index_cast %parallel_loop3A_217 : i32 to index
      %parallel_loop3A_221 = tpu.vector_load %arg5[%parallel_loop3A_220] {strides = array<i32>} : memref<8192xf32, #tpu.memory_space<vmem>>, vector<16xf32>,
      tpu.vector_store %arg5[%parallel_loop3A_220], %parallel_loop3A_219 {strides = array<i32>} : memref<8192xf32, #tpu.memory_space<vmem>>, vector<16xf32>,
    } {sc.loop_unroll_factor = 4 : i64, sc.parallel_access}
    %dma_wait3A = tpu.memref_slice %arg2[%multiple_of3A, %multiple_of3A_35] : memref<128x16384xi32, #tpu.memory_space<hbm>> -> memref<32x2048xi32, #tpu.memory_space<hbm>>
    %dma_wait3A_39 = tpu.memref_slice %arg2[%multiple_of3A, %multiple_of3A_35] : memref<128x16384xi32, #tpu.memory_space<hbm>> -> memref<32x2048xi32, #tpu.memory_space<hbm>>
    tpu.wait_dma2 semaphore(%arg9 : memref<!tpu.dma_semaphore, #tpu.memory_space<semaphore_mem>>) src(%dma_wait3A_39 : memref<32x2048xi32, #tpu.memory_space<hbm>>) dst(%arg4 : memref<32x2048xi32, #tpu.memory_space<vmem>>)
    %broadcast_in_dim3A = arith.constant 1.000000e+00 : f32
    %broadcast_in_dim3A_40 = vector.broadcast %broadcast_in_dim3A : f32 to vector<16xf32>
    %iota3A = tpu.iota {dimensions = array<i32: 0>} : vector<16xi32>
    %broadcast_in_dim3A_41 = arith.constant 0 : i32
    %broadcast_in_dim3A_42 = vector.broadcast %broadcast_in_dim3A_41 : i32 to vector<16xi32>
    %broadcast_in_dim3A_43 = arith.constant 1 : i32
    %broadcast_in_dim3A_44 = vector.broadcast %broadcast_in_dim3A_43 : i32 to vector<16xi32>
    %broadcast_in_dim3A_45 = arith.constant 2 : i32
    %broadcast_in_dim3A_46 = vector.broadcast %broadcast_in_dim3A_45 : i32 to vector<16xi32>
    %broadcast_in_dim3A_47 = arith.constant 3 : i32
    %broadcast_in_dim3A_48 = vector.broadcast %broadcast_in_dim3A_47 : i32 to vector<16xi32>
    %broadcast_in_dim3A_49 = arith.constant 4 : i32
    %broadcast_in_dim3A_50 = vector.broadcast %broadcast_in_dim3A_49 : i32 to vector<16xi32>
    %broadcast_in_dim3A_51 = arith.constant 5 : i32
    %broadcast_in_dim3A_52 = vector.broadcast %broadcast_in_dim3A_51 : i32 to vector<16xi32>
    %broadcast_in_dim3A_53 = arith.constant 6 : i32
    %broadcast_in_dim3A_54 = vector.broadcast %broadcast_in_dim3A_53 : i32 to vector<16xi32>
    %broadcast_in_dim3A_55 = arith.constant 7 : i32
    %broadcast_in_dim3A_56 = vector.broadcast %broadcast_in_dim3A_55 : i32 to vector<16xi32>
    %broadcast_in_dim3A_57 = arith.constant 8 : i32
    %broadcast_in_dim3A_58 = vector.broadcast %broadcast_in_dim3A_57 : i32 to vector<16xi32>
    %broadcast_in_dim3A_59 = arith.constant 9 : i32
    %broadcast_in_dim3A_60 = vector.broadcast %broadcast_in_dim3A_59 : i32 to vector<16xi32>
    %broadcast_in_dim3A_61 = arith.constant 10 : i32
    %broadcast_in_dim3A_62 = vector.broadcast %broadcast_in_dim3A_61 : i32 to vector<16xi32>
    %broadcast_in_dim3A_63 = arith.constant 11 : i32
    %broadcast_in_dim3A_64 = vector.broadcast %broadcast_in_dim3A_63 : i32 to vector<16xi32>
    %broadcast_in_dim3A_65 = arith.constant 12 : i32
    %broadcast_in_dim3A_66 = vector.broadcast %broadcast_in_dim3A_65 : i32 to vector<16xi32>
    %broadcast_in_dim3A_67 = arith.constant 13 : i32
    %broadcast_in_dim3A_68 = vector.broadcast %broadcast_in_dim3A_67 : i32 to vector<16xi32>
    %broadcast_in_dim3A_69 = arith.constant 14 : i32
    %broadcast_in_dim3A_70 = vector.broadcast %broadcast_in_dim3A_69 : i32 to vector<16xi32>
    %broadcast_in_dim3A_71 = arith.constant 15 : i32
    %broadcast_in_dim3A_72 = vector.broadcast %broadcast_in_dim3A_71 : i32 to vector<16xi32>
    %broadcast_in_dim3A_73 = arith.constant 16 : i32
    %broadcast_in_dim3A_74 = vector.broadcast %broadcast_in_dim3A_73 : i32 to vector<16xi32>
    %broadcast_in_dim3A_75 = arith.constant 17 : i32
    %broadcast_in_dim3A_76 = vector.broadcast %broadcast_in_dim3A_75 : i32 to vector<16xi32>
    %broadcast_in_dim3A_77 = arith.constant 18 : i32
    %broadcast_in_dim3A_78 = vector.broadcast %broadcast_in_dim3A_77 : i32 to vector<16xi32>
    %broadcast_in_dim3A_79 = arith.constant 19 : i32
    %broadcast_in_dim3A_80 = vector.broadcast %broadcast_in_dim3A_79 : i32 to vector<16xi32>
    %broadcast_in_dim3A_81 = arith.constant 20 : i32
    %broadcast_in_dim3A_82 = vector.broadcast %broadcast_in_dim3A_81 : i32 to vector<16xi32>
    %broadcast_in_dim3A_83 = arith.constant 21 : i32
    %broadcast_in_dim3A_84 = vector.broadcast %broadcast_in_dim3A_83 : i32 to vector<16xi32>
    %broadcast_in_dim3A_85 = arith.constant 22 : i32
    %broadcast_in_dim3A_86 = vector.broadcast %broadcast_in_dim3A_85 : i32 to vector<16xi32>
    %broadcast_in_dim3A_87 = arith.constant 23 : i32
    %broadcast_in_dim3A_88 = vector.broadcast %broadcast_in_dim3A_87 : i32 to vector<16xi32>
    %broadcast_in_dim3A_89 = arith.constant 24 : i32
    %broadcast_in_dim3A_90 = vector.broadcast %broadcast_in_dim3A_89 : i32 to vector<16xi32>
    %broadcast_in_dim3A_91 = arith.constant 25 : i32
    %broadcast_in_dim3A_92 = vector.broadcast %broadcast_in_dim3A_91 : i32 to vector<16xi32>
    %broadcast_in_dim3A_93 = arith.constant 26 : i32
    %broadcast_in_dim3A_94 = vector.broadcast %broadcast_in_dim3A_93 : i32 to vector<16xi32>
    %broadcast_in_dim3A_95 = arith.constant 27 : i32
    %broadcast_in_dim3A_96 = vector.broadcast %broadcast_in_dim3A_95 : i32 to vector<16xi32>
    %broadcast_in_dim3A_97 = arith.constant 28 : i32
    %broadcast_in_dim3A_98 = vector.broadcast %broadcast_in_dim3A_97 : i32 to vector<16xi32>
    %broadcast_in_dim3A_99 = arith.constant 29 : i32
    %broadcast_in_dim3A_100 = vector.broadcast %broadcast_in_dim3A_99 : i32 to vector<16xi32>
    %broadcast_in_dim3A_101 = arith.constant 30 : i32
    %broadcast_in_dim3A_102 = vector.broadcast %broadcast_in_dim3A_101 : i32 to vector<16xi32>
    %broadcast_in_dim3A_103 = arith.constant 31 : i32
    %broadcast_in_dim3A_104 = vector.broadcast %broadcast_in_dim3A_103 : i32 to vector<16xi32>
    %parallel_loop3A_105 = arith.constant 0 : i32
    %parallel_loop3A_106 = arith.constant 2048 : i32
    %parallel_loop3A_107 = arith.constant 16 : i32
    scf.for %parallel_loop3A_217 = %parallel_loop3A_105 to %parallel_loop3A_106 step %parallel_loop3A_107  : i32 {
      %parallel_loop3A_218 = vector.broadcast %parallel_loop3A_217 : i32 to vector<16xi32>
      %parallel_loop3A_219 = arith.addi %iota3A, %parallel_loop3A_218 : vector<16xi32>
      %parallel_loop3A_220 = tpu.vector_load_idx %arg4[%broadcast_in_dim3A_42, %parallel_loop3A_219] : memref<32x2048xi32, #tpu.memory_space<vmem>>[vector<16xi32>, vector<16xi32>], vector<16xi32>,
      %parallel_loop3A_221 = tpu.vector_load_idx %arg4[%broadcast_in_dim3A_44, %parallel_loop3A_219] : memref<32x2048xi32, #tpu.memory_space<vmem>>[vector<16xi32>, vector<16xi32>], vector<16xi32>,
      %parallel_loop3A_222 = tpu.vector_load_idx %arg4[%broadcast_in_dim3A_46, %parallel_loop3A_219] : memref<32x2048xi32, #tpu.memory_space<vmem>>[vector<16xi32>, vector<16xi32>], vector<16xi32>,
      %parallel_loop3A_223 = arith.constant 20 : i32
      %parallel_loop3A_224 = vector.broadcast %parallel_loop3A_223 : i32 to vector<16xi32>
      %parallel_loop3A_225 = arith.muli %parallel_loop3A_220, %parallel_loop3A_224 : vector<16xi32>
      %parallel_loop3A_226 = arith.addi %parallel_loop3A_225, %parallel_loop3A_221 : vector<16xi32>
      %parallel_loop3A_227 = arith.constant 20 : i32
      %parallel_loop3A_228 = vector.broadcast %parallel_loop3A_227 : i32 to vector<16xi32>
      %parallel_loop3A_229 = arith.muli %parallel_loop3A_226, %parallel_loop3A_228 : vector<16xi32>
      %parallel_loop3A_230 = arith.addi %parallel_loop3A_229, %parallel_loop3A_222 : vector<16xi32>
      tpu.vector_store_idx %arg5[%parallel_loop3A_230], %broadcast_in_dim3A_40 {add = true} : memref<8192xf32, #tpu.memory_space<vmem>>[vector<16xi32>], vector<16xf32>,
      %parallel_loop3A_231 = tpu.vector_load_idx %arg4[%broadcast_in_dim3A_48, %parallel_loop3A_219] : memref<32x2048xi32, #tpu.memory_space<vmem>>[vector<16xi32>, vector<16xi32>], vector<16xi32>,
      %parallel_loop3A_232 = arith.constant 20 : i32
      %parallel_loop3A_233 = vector.broadcast %parallel_loop3A_232 : i32 to vector<16xi32>
      %parallel_loop3A_234 = arith.muli %parallel_loop3A_221, %parallel_loop3A_233 : vector<16xi32>
      %parallel_loop3A_235 = arith.addi %parallel_loop3A_234, %parallel_loop3A_222 : vector<16xi32>
      %parallel_loop3A_236 = arith.constant 20 : i32
      %parallel_loop3A_237 = vector.broadcast %parallel_loop3A_236 : i32 to vector<16xi32>
      %parallel_loop3A_238 = arith.muli %parallel_loop3A_235, %parallel_loop3A_237 : vector<16xi32>
      %parallel_loop3A_239 = arith.addi %parallel_loop3A_238, %parallel_loop3A_231 : vector<16xi32>
      tpu.vector_store_idx %arg5[%parallel_loop3A_239], %broadcast_in_dim3A_40 {add = true} : memref<8192xf32, #tpu.memory_space<vmem>>[vector<16xi32>], vector<16xf32>,
      %parallel_loop3A_240 = tpu.vector_load_idx %arg4[%broadcast_in_dim3A_50, %parallel_loop3A_219] : memref<32x2048xi32, #tpu.memory_space<vmem>>[vector<16xi32>, vector<16xi32>], vector<16xi32>,
      %parallel_loop3A_241 = arith.constant 20 : i32
      %parallel_loop3A_242 = vector.broadcast %parallel_loop3A_241 : i32 to vector<16xi32>
      %parallel_loop3A_243 = arith.muli %parallel_loop3A_222, %parallel_loop3A_242 : vector<16xi32>
      %parallel_loop3A_244 = arith.addi %parallel_loop3A_243, %parallel_loop3A_231 : vector<16xi32>
      %parallel_loop3A_245 = arith.constant 20 : i32
      %parallel_loop3A_246 = vector.broadcast %parallel_loop3A_245 : i32 to vector<16xi32>
      %parallel_loop3A_247 = arith.muli %parallel_loop3A_244, %parallel_loop3A_246 : vector<16xi32>
      %parallel_loop3A_248 = arith.addi %parallel_loop3A_247, %parallel_loop3A_240 : vector<16xi32>
      tpu.vector_store_idx %arg5[%parallel_loop3A_248], %broadcast_in_dim3A_40 {add = true} : memref<8192xf32, #tpu.memory_space<vmem>>[vector<16xi32>], vector<16xf32>,
      %parallel_loop3A_249 = tpu.vector_load_idx %arg4[%broadcast_in_dim3A_52, %parallel_loop3A_219] : memref<32x2048xi32, #tpu.memory_space<vmem>>[vector<16xi32>, vector<16xi32>], vector<16xi32>,
      %parallel_loop3A_250 = arith.constant 20 : i32
      %parallel_loop3A_251 = vector.broadcast %parallel_loop3A_250 : i32 to vector<16xi32>
      %parallel_loop3A_252 = arith.muli %parallel_loop3A_231, %parallel_loop3A_251 : vector<16xi32>
      %parallel_loop3A_253 = arith.addi %parallel_loop3A_252, %parallel_loop3A_240 : vector<16xi32>
      %parallel_loop3A_254 = arith.constant 20 : i32
      %parallel_loop3A_255 = vector.broadcast %parallel_loop3A_254 : i32 to vector<16xi32>
      %parallel_loop3A_256 = arith.muli %parallel_loop3A_253, %parallel_loop3A_255 : vector<16xi32>
      %parallel_loop3A_257 = arith.addi %parallel_loop3A_256, %parallel_loop3A_249 : vector<16xi32>
      tpu.vector_store_idx %arg5[%parallel_loop3A_257], %broadcast_in_dim3A_40 {add = true} : memref<8192xf32, #tpu.memory_space<vmem>>[vector<16xi32>], vector<16xf32>,
      %parallel_loop3A_258 = tpu.vector_load_idx %arg4[%broadcast_in_dim3A_54, %parallel_loop3A_219] : memref<32x2048xi32, #tpu.memory_space<vmem>>[vector<16xi32>, vector<16xi32>], vector<16xi32>,
      %parallel_loop3A_259 = arith.constant 20 : i32
      %parallel_loop3A_260 = vector.broadcast %parallel_loop3A_259 : i32 to vector<16xi32>
      %parallel_loop3A_261 = arith.muli %parallel_loop3A_240, %parallel_loop3A_260 : vector<16xi32>
      %parallel_loop3A_262 = arith.addi %parallel_loop3A_261, %parallel_loop3A_249 : vector<16xi32>
      %parallel_loop3A_263 = arith.constant 20 : i32
      %parallel_loop3A_264 = vector.broadcast %parallel_loop3A_263 : i32 to vector<16xi32>
      %parallel_loop3A_265 = arith.muli %parallel_loop3A_262, %parallel_loop3A_264 : vector<16xi32>
      %parallel_loop3A_266 = arith.addi %parallel_loop3A_265, %parallel_loop3A_258 : vector<16xi32>
      tpu.vector_store_idx %arg5[%parallel_loop3A_266], %broadcast_in_dim3A_40 {add = true} : memref<8192xf32, #tpu.memory_space<vmem>>[vector<16xi32>], vector<16xf32>,
      %parallel_loop3A_267 = tpu.vector_load_idx %arg4[%broadcast_in_dim3A_56, %parallel_loop3A_219] : memref<32x2048xi32, #tpu.memory_space<vmem>>[vector<16xi32>, vector<16xi32>], vector<16xi32>,
      %parallel_loop3A_268 = arith.constant 20 : i32
      %parallel_loop3A_269 = vector.broadcast %parallel_loop3A_268 : i32 to vector<16xi32>
      %parallel_loop3A_270 = arith.muli %parallel_loop3A_249, %parallel_loop3A_269 : vector<16xi32>
      %parallel_loop3A_271 = arith.addi %parallel_loop3A_270, %parallel_loop3A_258 : vector<16xi32>
      %parallel_loop3A_272 = arith.constant 20 : i32
      %parallel_loop3A_273 = vector.broadcast %parallel_loop3A_272 : i32 to vector<16xi32>
      %parallel_loop3A_274 = arith.muli %parallel_loop3A_271, %parallel_loop3A_273 : vector<16xi32>
      %parallel_loop3A_275 = arith.addi %parallel_loop3A_274, %parallel_loop3A_267 : vector<16xi32>
      tpu.vector_store_idx %arg5[%parallel_loop3A_275], %broadcast_in_dim3A_40 {add = true} : memref<8192xf32, #tpu.memory_space<vmem>>[vector<16xi32>], vector<16xf32>,
      %parallel_loop3A_276 = tpu.vector_load_idx %arg4[%broadcast_in_dim3A_58, %parallel_loop3A_219] : memref<32x2048xi32, #tpu.memory_space<vmem>>[vector<16xi32>, vector<16xi32>], vector<16xi32>,
      %parallel_loop3A_277 = arith.constant 20 : i32
      %parallel_loop3A_278 = vector.broadcast %parallel_loop3A_277 : i32 to vector<16xi32>
      %parallel_loop3A_279 = arith.muli %parallel_loop3A_258, %parallel_loop3A_278 : vector<16xi32>
      %parallel_loop3A_280 = arith.addi %parallel_loop3A_279, %parallel_loop3A_267 : vector<16xi32>
      %parallel_loop3A_281 = arith.constant 20 : i32
      %parallel_loop3A_282 = vector.broadcast %parallel_loop3A_281 : i32 to vector<16xi32>
      %parallel_loop3A_283 = arith.muli %parallel_loop3A_280, %parallel_loop3A_282 : vector<16xi32>
      %parallel_loop3A_284 = arith.addi %parallel_loop3A_283, %parallel_loop3A_276 : vector<16xi32>
      tpu.vector_store_idx %arg5[%parallel_loop3A_284], %broadcast_in_dim3A_40 {add = true} : memref<8192xf32, #tpu.memory_space<vmem>>[vector<16xi32>], vector<16xf32>,
      %parallel_loop3A_285 = tpu.vector_load_idx %arg4[%broadcast_in_dim3A_60, %parallel_loop3A_219] : memref<32x2048xi32, #tpu.memory_space<vmem>>[vector<16xi32>, vector<16xi32>], vector<16xi32>,
      %parallel_loop3A_286 = arith.constant 20 : i32
      %parallel_loop3A_287 = vector.broadcast %parallel_loop3A_286 : i32 to vector<16xi32>
      %parallel_loop3A_288 = arith.muli %parallel_loop3A_267, %parallel_loop3A_287 : vector<16xi32>
      %parallel_loop3A_289 = arith.addi %parallel_loop3A_288, %parallel_loop3A_276 : vector<16xi32>
      %parallel_loop3A_290 = arith.constant 20 : i32
      %parallel_loop3A_291 = vector.broadcast %parallel_loop3A_290 : i32 to vector<16xi32>
      %parallel_loop3A_292 = arith.muli %parallel_loop3A_289, %parallel_loop3A_291 : vector<16xi32>
      %parallel_loop3A_293 = arith.addi %parallel_loop3A_292, %parallel_loop3A_285 : vector<16xi32>
      tpu.vector_store_idx %arg5[%parallel_loop3A_293], %broadcast_in_dim3A_40 {add = true} : memref<8192xf32, #tpu.memory_space<vmem>>[vector<16xi32>], vector<16xf32>,
      %parallel_loop3A_294 = tpu.vector_load_idx %arg4[%broadcast_in_dim3A_62, %parallel_loop3A_219] : memref<32x2048xi32, #tpu.memory_space<vmem>>[vector<16xi32>, vector<16xi32>], vector<16xi32>,
      %parallel_loop3A_295 = arith.constant 20 : i32
      %parallel_loop3A_296 = vector.broadcast %parallel_loop3A_295 : i32 to vector<16xi32>
      %parallel_loop3A_297 = arith.muli %parallel_loop3A_276, %parallel_loop3A_296 : vector<16xi32>
      %parallel_loop3A_298 = arith.addi %parallel_loop3A_297, %parallel_loop3A_285 : vector<16xi32>
      %parallel_loop3A_299 = arith.constant 20 : i32
      %parallel_loop3A_300 = vector.broadcast %parallel_loop3A_299 : i32 to vector<16xi32>
      %parallel_loop3A_301 = arith.muli %parallel_loop3A_298, %parallel_loop3A_300 : vector<16xi32>
      %parallel_loop3A_302 = arith.addi %parallel_loop3A_301, %parallel_loop3A_294 : vector<16xi32>
      tpu.vector_store_idx %arg5[%parallel_loop3A_302], %broadcast_in_dim3A_40 {add = true} : memref<8192xf32, #tpu.memory_space<vmem>>[vector<16xi32>], vector<16xf32>,
      %parallel_loop3A_303 = tpu.vector_load_idx %arg4[%broadcast_in_dim3A_64, %parallel_loop3A_219] : memref<32x2048xi32, #tpu.memory_space<vmem>>[vector<16xi32>, vector<16xi32>], vector<16xi32>,
      %parallel_loop3A_304 = arith.constant 20 : i32
      %parallel_loop3A_305 = vector.broadcast %parallel_loop3A_304 : i32 to vector<16xi32>
      %parallel_loop3A_306 = arith.muli %parallel_loop3A_285, %parallel_loop3A_305 : vector<16xi32>
      %parallel_loop3A_307 = arith.addi %parallel_loop3A_306, %parallel_loop3A_294 : vector<16xi32>
      %parallel_loop3A_308 = arith.constant 20 : i32
      %parallel_loop3A_309 = vector.broadcast %parallel_loop3A_308 : i32 to vector<16xi32>
      %parallel_loop3A_310 = arith.muli %parallel_loop3A_307, %parallel_loop3A_309 : vector<16xi32>
      %parallel_loop3A_311 = arith.addi %parallel_loop3A_310, %parallel_loop3A_303 : vector<16xi32>
      tpu.vector_store_idx %arg5[%parallel_loop3A_311], %broadcast_in_dim3A_40 {add = true} : memref<8192xf32, #tpu.memory_space<vmem>>[vector<16xi32>], vector<16xf32>,
      %parallel_loop3A_312 = tpu.vector_load_idx %arg4[%broadcast_in_dim3A_66, %parallel_loop3A_219] : memref<32x2048xi32, #tpu.memory_space<vmem>>[vector<16xi32>, vector<16xi32>], vector<16xi32>,
      %parallel_loop3A_313 = arith.constant 20 : i32
      %parallel_loop3A_314 = vector.broadcast %parallel_loop3A_313 : i32 to vector<16xi32>
      %parallel_loop3A_315 = arith.muli %parallel_loop3A_294, %parallel_loop3A_314 : vector<16xi32>
      %parallel_loop3A_316 = arith.addi %parallel_loop3A_315, %parallel_loop3A_303 : vector<16xi32>
      %parallel_loop3A_317 = arith.constant 20 : i32
      %parallel_loop3A_318 = vector.broadcast %parallel_loop3A_317 : i32 to vector<16xi32>
      %parallel_loop3A_319 = arith.muli %parallel_loop3A_316, %parallel_loop3A_318 : vector<16xi32>
      %parallel_loop3A_320 = arith.addi %parallel_loop3A_319, %parallel_loop3A_312 : vector<16xi32>
      tpu.vector_store_idx %arg5[%parallel_loop3A_320], %broadcast_in_dim3A_40 {add = true} : memref<8192xf32, #tpu.memory_space<vmem>>[vector<16xi32>], vector<16xf32>,
      %parallel_loop3A_321 = tpu.vector_load_idx %arg4[%broadcast_in_dim3A_68, %parallel_loop3A_219] : memref<32x2048xi32, #tpu.memory_space<vmem>>[vector<16xi32>, vector<16xi32>], vector<16xi32>,
      %parallel_loop3A_322 = arith.constant 20 : i32
      %parallel_loop3A_323 = vector.broadcast %parallel_loop3A_322 : i32 to vector<16xi32>
      %parallel_loop3A_324 = arith.muli %parallel_loop3A_303, %parallel_loop3A_323 : vector<16xi32>
      %parallel_loop3A_325 = arith.addi %parallel_loop3A_324, %parallel_loop3A_312 : vector<16xi32>
      %parallel_loop3A_326 = arith.constant 20 : i32
      %parallel_loop3A_327 = vector.broadcast %parallel_loop3A_326 : i32 to vector<16xi32>
      %parallel_loop3A_328 = arith.muli %parallel_loop3A_325, %parallel_loop3A_327 : vector<16xi32>
      %parallel_loop3A_329 = arith.addi %parallel_loop3A_328, %parallel_loop3A_321 : vector<16xi32>
      tpu.vector_store_idx %arg5[%parallel_loop3A_329], %broadcast_in_dim3A_40 {add = true} : memref<8192xf32, #tpu.memory_space<vmem>>[vector<16xi32>], vector<16xf32>,
      %parallel_loop3A_330 = tpu.vector_load_idx %arg4[%broadcast_in_dim3A_70, %parallel_loop3A_219] : memref<32x2048xi32, #tpu.memory_space<vmem>>[vector<16xi32>, vector<16xi32>], vector<16xi32>,
      %parallel_loop3A_331 = arith.constant 20 : i32
      %parallel_loop3A_332 = vector.broadcast %parallel_loop3A_331 : i32 to vector<16xi32>
      %parallel_loop3A_333 = arith.muli %parallel_loop3A_312, %parallel_loop3A_332 : vector<16xi32>
      %parallel_loop3A_334 = arith.addi %parallel_loop3A_333, %parallel_loop3A_321 : vector<16xi32>
      %parallel_loop3A_335 = arith.constant 20 : i32
      %parallel_loop3A_336 = vector.broadcast %parallel_loop3A_335 : i32 to vector<16xi32>
      %parallel_loop3A_337 = arith.muli %parallel_loop3A_334, %parallel_loop3A_336 : vector<16xi32>
      %parallel_loop3A_338 = arith.addi %parallel_loop3A_337, %parallel_loop3A_330 : vector<16xi32>
      tpu.vector_store_idx %arg5[%parallel_loop3A_338], %broadcast_in_dim3A_40 {add = true} : memref<8192xf32, #tpu.memory_space<vmem>>[vector<16xi32>], vector<16xf32>,
      %parallel_loop3A_339 = tpu.vector_load_idx %arg4[%broadcast_in_dim3A_72, %parallel_loop3A_219] : memref<32x2048xi32, #tpu.memory_space<vmem>>[vector<16xi32>, vector<16xi32>], vector<16xi32>,
      %parallel_loop3A_340 = arith.constant 20 : i32
      %parallel_loop3A_341 = vector.broadcast %parallel_loop3A_340 : i32 to vector<16xi32>
      %parallel_loop3A_342 = arith.muli %parallel_loop3A_321, %parallel_loop3A_341 : vector<16xi32>
      %parallel_loop3A_343 = arith.addi %parallel_loop3A_342, %parallel_loop3A_330 : vector<16xi32>
      %parallel_loop3A_344 = arith.constant 20 : i32
      %parallel_loop3A_345 = vector.broadcast %parallel_loop3A_344 : i32 to vector<16xi32>
      %parallel_loop3A_346 = arith.muli %parallel_loop3A_343, %parallel_loop3A_345 : vector<16xi32>
      %parallel_loop3A_347 = arith.addi %parallel_loop3A_346, %parallel_loop3A_339 : vector<16xi32>
      tpu.vector_store_idx %arg5[%parallel_loop3A_347], %broadcast_in_dim3A_40 {add = true} : memref<8192xf32, #tpu.memory_space<vmem>>[vector<16xi32>], vector<16xf32>,
      %parallel_loop3A_348 = tpu.vector_load_idx %arg4[%broadcast_in_dim3A_74, %parallel_loop3A_219] : memref<32x2048xi32, #tpu.memory_space<vmem>>[vector<16xi32>, vector<16xi32>], vector<16xi32>,
      %parallel_loop3A_349 = arith.constant 20 : i32
      %parallel_loop3A_350 = vector.broadcast %parallel_loop3A_349 : i32 to vector<16xi32>
      %parallel_loop3A_351 = arith.muli %parallel_loop3A_330, %parallel_loop3A_350 : vector<16xi32>
      %parallel_loop3A_352 = arith.addi %parallel_loop3A_351, %parallel_loop3A_339 : vector<16xi32>
      %parallel_loop3A_353 = arith.constant 20 : i32
      %parallel_loop3A_354 = vector.broadcast %parallel_loop3A_353 : i32 to vector<16xi32>
      %parallel_loop3A_355 = arith.muli %parallel_loop3A_352, %parallel_loop3A_354 : vector<16xi32>
      %parallel_loop3A_356 = arith.addi %parallel_loop3A_355, %parallel_loop3A_348 : vector<16xi32>
      tpu.vector_store_idx %arg5[%parallel_loop3A_356], %broadcast_in_dim3A_40 {add = true} : memref<8192xf32, #tpu.memory_space<vmem>>[vector<16xi32>], vector<16xf32>,
      %parallel_loop3A_357 = tpu.vector_load_idx %arg4[%broadcast_in_dim3A_76, %parallel_loop3A_219] : memref<32x2048xi32, #tpu.memory_space<vmem>>[vector<16xi32>, vector<16xi32>], vector<16xi32>,
      %parallel_loop3A_358 = arith.constant 20 : i32
      %parallel_loop3A_359 = vector.broadcast %parallel_loop3A_358 : i32 to vector<16xi32>
      %parallel_loop3A_360 = arith.muli %parallel_loop3A_339, %parallel_loop3A_359 : vector<16xi32>
      %parallel_loop3A_361 = arith.addi %parallel_loop3A_360, %parallel_loop3A_348 : vector<16xi32>
      %parallel_loop3A_362 = arith.constant 20 : i32
      %parallel_loop3A_363 = vector.broadcast %parallel_loop3A_362 : i32 to vector<16xi32>
      %parallel_loop3A_364 = arith.muli %parallel_loop3A_361, %parallel_loop3A_363 : vector<16xi32>
      %parallel_loop3A_365 = arith.addi %parallel_loop3A_364, %parallel_loop3A_357 : vector<16xi32>
      tpu.vector_store_idx %arg5[%parallel_loop3A_365], %broadcast_in_dim3A_40 {add = true} : memref<8192xf32, #tpu.memory_space<vmem>>[vector<16xi32>], vector<16xf32>,
      %parallel_loop3A_366 = tpu.vector_load_idx %arg4[%broadcast_in_dim3A_78, %parallel_loop3A_219] : memref<32x2048xi32, #tpu.memory_space<vmem>>[vector<16xi32>, vector<16xi32>], vector<16xi32>,
      %parallel_loop3A_367 = arith.constant 20 : i32
      %parallel_loop3A_368 = vector.broadcast %parallel_loop3A_367 : i32 to vector<16xi32>
      %parallel_loop3A_369 = arith.muli %parallel_loop3A_348, %parallel_loop3A_368 : vector<16xi32>
      %parallel_loop3A_370 = arith.addi %parallel_loop3A_369, %parallel_loop3A_357 : vector<16xi32>
      %parallel_loop3A_371 = arith.constant 20 : i32
      %parallel_loop3A_372 = vector.broadcast %parallel_loop3A_371 : i32 to vector<16xi32>
      %parallel_loop3A_373 = arith.muli %parallel_loop3A_370, %parallel_loop3A_372 : vector<16xi32>
      %parallel_loop3A_374 = arith.addi %parallel_loop3A_373, %parallel_loop3A_366 : vector<16xi32>
      tpu.vector_store_idx %arg5[%parallel_loop3A_374], %broadcast_in_dim3A_40 {add = true} : memref<8192xf32, #tpu.memory_space<vmem>>[vector<16xi32>], vector<16xf32>,
      %parallel_loop3A_375 = tpu.vector_load_idx %arg4[%broadcast_in_dim3A_80, %parallel_loop3A_219] : memref<32x2048xi32, #tpu.memory_space<vmem>>[vector<16xi32>, vector<16xi32>], vector<16xi32>,
      %parallel_loop3A_376 = arith.constant 20 : i32
      %parallel_loop3A_377 = vector.broadcast %parallel_loop3A_376 : i32 to vector<16xi32>
      %parallel_loop3A_378 = arith.muli %parallel_loop3A_357, %parallel_loop3A_377 : vector<16xi32>
      %parallel_loop3A_379 = arith.addi %parallel_loop3A_378, %parallel_loop3A_366 : vector<16xi32>
      %parallel_loop3A_380 = arith.constant 20 : i32
      %parallel_loop3A_381 = vector.broadcast %parallel_loop3A_380 : i32 to vector<16xi32>
      %parallel_loop3A_382 = arith.muli %parallel_loop3A_379, %parallel_loop3A_381 : vector<16xi32>
      %parallel_loop3A_383 = arith.addi %parallel_loop3A_382, %parallel_loop3A_375 : vector<16xi32>
      tpu.vector_store_idx %arg5[%parallel_loop3A_383], %broadcast_in_dim3A_40 {add = true} : memref<8192xf32, #tpu.memory_space<vmem>>[vector<16xi32>], vector<16xf32>,
      %parallel_loop3A_384 = tpu.vector_load_idx %arg4[%broadcast_in_dim3A_82, %parallel_loop3A_219] : memref<32x2048xi32, #tpu.memory_space<vmem>>[vector<16xi32>, vector<16xi32>], vector<16xi32>,
      %parallel_loop3A_385 = arith.constant 20 : i32
      %parallel_loop3A_386 = vector.broadcast %parallel_loop3A_385 : i32 to vector<16xi32>
      %parallel_loop3A_387 = arith.muli %parallel_loop3A_366, %parallel_loop3A_386 : vector<16xi32>
      %parallel_loop3A_388 = arith.addi %parallel_loop3A_387, %parallel_loop3A_375 : vector<16xi32>
      %parallel_loop3A_389 = arith.constant 20 : i32
      %parallel_loop3A_390 = vector.broadcast %parallel_loop3A_389 : i32 to vector<16xi32>
      %parallel_loop3A_391 = arith.muli %parallel_loop3A_388, %parallel_loop3A_390 : vector<16xi32>
      %parallel_loop3A_392 = arith.addi %parallel_loop3A_391, %parallel_loop3A_384 : vector<16xi32>
      tpu.vector_store_idx %arg5[%parallel_loop3A_392], %broadcast_in_dim3A_40 {add = true} : memref<8192xf32, #tpu.memory_space<vmem>>[vector<16xi32>], vector<16xf32>,
      %parallel_loop3A_393 = tpu.vector_load_idx %arg4[%broadcast_in_dim3A_84, %parallel_loop3A_219] : memref<32x2048xi32, #tpu.memory_space<vmem>>[vector<16xi32>, vector<16xi32>], vector<16xi32>,
      %parallel_loop3A_394 = arith.constant 20 : i32
      %parallel_loop3A_395 = vector.broadcast %parallel_loop3A_394 : i32 to vector<16xi32>
      %parallel_loop3A_396 = arith.muli %parallel_loop3A_375, %parallel_loop3A_395 : vector<16xi32>
      %parallel_loop3A_397 = arith.addi %parallel_loop3A_396, %parallel_loop3A_384 : vector<16xi32>
      %parallel_loop3A_398 = arith.constant 20 : i32
      %parallel_loop3A_399 = vector.broadcast %parallel_loop3A_398 : i32 to vector<16xi32>
      %parallel_loop3A_400 = arith.muli %parallel_loop3A_397, %parallel_loop3A_399 : vector<16xi32>
      %parallel_loop3A_401 = arith.addi %parallel_loop3A_400, %parallel_loop3A_393 : vector<16xi32>
      tpu.vector_store_idx %arg5[%parallel_loop3A_401], %broadcast_in_dim3A_40 {add = true} : memref<8192xf32, #tpu.memory_space<vmem>>[vector<16xi32>], vector<16xf32>,
      %parallel_loop3A_402 = tpu.vector_load_idx %arg4[%broadcast_in_dim3A_86, %parallel_loop3A_219] : memref<32x2048xi32, #tpu.memory_space<vmem>>[vector<16xi32>, vector<16xi32>], vector<16xi32>,
      %parallel_loop3A_403 = arith.constant 20 : i32
      %parallel_loop3A_404 = vector.broadcast %parallel_loop3A_403 : i32 to vector<16xi32>
      %parallel_loop3A_405 = arith.muli %parallel_loop3A_384, %parallel_loop3A_404 : vector<16xi32>
      %parallel_loop3A_406 = arith.addi %parallel_loop3A_405, %parallel_loop3A_393 : vector<16xi32>
      %parallel_loop3A_407 = arith.constant 20 : i32
      %parallel_loop3A_408 = vector.broadcast %parallel_loop3A_407 : i32 to vector<16xi32>
      %parallel_loop3A_409 = arith.muli %parallel_loop3A_406, %parallel_loop3A_408 : vector<16xi32>
      %parallel_loop3A_410 = arith.addi %parallel_loop3A_409, %parallel_loop3A_402 : vector<16xi32>
      tpu.vector_store_idx %arg5[%parallel_loop3A_410], %broadcast_in_dim3A_40 {add = true} : memref<8192xf32, #tpu.memory_space<vmem>>[vector<16xi32>], vector<16xf32>,
      %parallel_loop3A_411 = tpu.vector_load_idx %arg4[%broadcast_in_dim3A_88, %parallel_loop3A_219] : memref<32x2048xi32, #tpu.memory_space<vmem>>[vector<16xi32>, vector<16xi32>], vector<16xi32>,
      %parallel_loop3A_412 = arith.constant 20 : i32
      %parallel_loop3A_413 = vector.broadcast %parallel_loop3A_412 : i32 to vector<16xi32>
      %parallel_loop3A_414 = arith.muli %parallel_loop3A_393, %parallel_loop3A_413 : vector<16xi32>
      %parallel_loop3A_415 = arith.addi %parallel_loop3A_414, %parallel_loop3A_402 : vector<16xi32>
      %parallel_loop3A_416 = arith.constant 20 : i32
      %parallel_loop3A_417 = vector.broadcast %parallel_loop3A_416 : i32 to vector<16xi32>
      %parallel_loop3A_418 = arith.muli %parallel_loop3A_415, %parallel_loop3A_417 : vector<16xi32>
      %parallel_loop3A_419 = arith.addi %parallel_loop3A_418, %parallel_loop3A_411 : vector<16xi32>
      tpu.vector_store_idx %arg5[%parallel_loop3A_419], %broadcast_in_dim3A_40 {add = true} : memref<8192xf32, #tpu.memory_space<vmem>>[vector<16xi32>], vector<16xf32>,
      %parallel_loop3A_420 = tpu.vector_load_idx %arg4[%broadcast_in_dim3A_90, %parallel_loop3A_219] : memref<32x2048xi32, #tpu.memory_space<vmem>>[vector<16xi32>, vector<16xi32>], vector<16xi32>,
      %parallel_loop3A_421 = arith.constant 20 : i32
      %parallel_loop3A_422 = vector.broadcast %parallel_loop3A_421 : i32 to vector<16xi32>
      %parallel_loop3A_423 = arith.muli %parallel_loop3A_402, %parallel_loop3A_422 : vector<16xi32>
      %parallel_loop3A_424 = arith.addi %parallel_loop3A_423, %parallel_loop3A_411 : vector<16xi32>
      %parallel_loop3A_425 = arith.constant 20 : i32
      %parallel_loop3A_426 = vector.broadcast %parallel_loop3A_425 : i32 to vector<16xi32>
      %parallel_loop3A_427 = arith.muli %parallel_loop3A_424, %parallel_loop3A_426 : vector<16xi32>
      %parallel_loop3A_428 = arith.addi %parallel_loop3A_427, %parallel_loop3A_420 : vector<16xi32>
      tpu.vector_store_idx %arg5[%parallel_loop3A_428], %broadcast_in_dim3A_40 {add = true} : memref<8192xf32, #tpu.memory_space<vmem>>[vector<16xi32>], vector<16xf32>,
      %parallel_loop3A_429 = tpu.vector_load_idx %arg4[%broadcast_in_dim3A_92, %parallel_loop3A_219] : memref<32x2048xi32, #tpu.memory_space<vmem>>[vector<16xi32>, vector<16xi32>], vector<16xi32>,
      %parallel_loop3A_430 = arith.constant 20 : i32
      %parallel_loop3A_431 = vector.broadcast %parallel_loop3A_430 : i32 to vector<16xi32>
      %parallel_loop3A_432 = arith.muli %parallel_loop3A_411, %parallel_loop3A_431 : vector<16xi32>
      %parallel_loop3A_433 = arith.addi %parallel_loop3A_432, %parallel_loop3A_420 : vector<16xi32>
      %parallel_loop3A_434 = arith.constant 20 : i32
      %parallel_loop3A_435 = vector.broadcast %parallel_loop3A_434 : i32 to vector<16xi32>
      %parallel_loop3A_436 = arith.muli %parallel_loop3A_433, %parallel_loop3A_435 : vector<16xi32>
      %parallel_loop3A_437 = arith.addi %parallel_loop3A_436, %parallel_loop3A_429 : vector<16xi32>
      tpu.vector_store_idx %arg5[%parallel_loop3A_437], %broadcast_in_dim3A_40 {add = true} : memref<8192xf32, #tpu.memory_space<vmem>>[vector<16xi32>], vector<16xf32>,
      %parallel_loop3A_438 = tpu.vector_load_idx %arg4[%broadcast_in_dim3A_94, %parallel_loop3A_219] : memref<32x2048xi32, #tpu.memory_space<vmem>>[vector<16xi32>, vector<16xi32>], vector<16xi32>,
      %parallel_loop3A_439 = arith.constant 20 : i32
      %parallel_loop3A_440 = vector.broadcast %parallel_loop3A_439 : i32 to vector<16xi32>
      %parallel_loop3A_441 = arith.muli %parallel_loop3A_420, %parallel_loop3A_440 : vector<16xi32>
      %parallel_loop3A_442 = arith.addi %parallel_loop3A_441, %parallel_loop3A_429 : vector<16xi32>
      %parallel_loop3A_443 = arith.constant 20 : i32
      %parallel_loop3A_444 = vector.broadcast %parallel_loop3A_443 : i32 to vector<16xi32>
      %parallel_loop3A_445 = arith.muli %parallel_loop3A_442, %parallel_loop3A_444 : vector<16xi32>
      %parallel_loop3A_446 = arith.addi %parallel_loop3A_445, %parallel_loop3A_438 : vector<16xi32>
      tpu.vector_store_idx %arg5[%parallel_loop3A_446], %broadcast_in_dim3A_40 {add = true} : memref<8192xf32, #tpu.memory_space<vmem>>[vector<16xi32>], vector<16xf32>,
      %parallel_loop3A_447 = tpu.vector_load_idx %arg4[%broadcast_in_dim3A_96, %parallel_loop3A_219] : memref<32x2048xi32, #tpu.memory_space<vmem>>[vector<16xi32>, vector<16xi32>], vector<16xi32>,
      %parallel_loop3A_448 = arith.constant 20 : i32
      %parallel_loop3A_449 = vector.broadcast %parallel_loop3A_448 : i32 to vector<16xi32>
      %parallel_loop3A_450 = arith.muli %parallel_loop3A_429, %parallel_loop3A_449 : vector<16xi32>
      %parallel_loop3A_451 = arith.addi %parallel_loop3A_450, %parallel_loop3A_438 : vector<16xi32>
      %parallel_loop3A_452 = arith.constant 20 : i32
      %parallel_loop3A_453 = vector.broadcast %parallel_loop3A_452 : i32 to vector<16xi32>
      %parallel_loop3A_454 = arith.muli %parallel_loop3A_451, %parallel_loop3A_453 : vector<16xi32>
      %parallel_loop3A_455 = arith.addi %parallel_loop3A_454, %parallel_loop3A_447 : vector<16xi32>
      tpu.vector_store_idx %arg5[%parallel_loop3A_455], %broadcast_in_dim3A_40 {add = true} : memref<8192xf32, #tpu.memory_space<vmem>>[vector<16xi32>], vector<16xf32>,
      %parallel_loop3A_456 = tpu.vector_load_idx %arg4[%broadcast_in_dim3A_98, %parallel_loop3A_219] : memref<32x2048xi32, #tpu.memory_space<vmem>>[vector<16xi32>, vector<16xi32>], vector<16xi32>,
      %parallel_loop3A_457 = arith.constant 20 : i32
      %parallel_loop3A_458 = vector.broadcast %parallel_loop3A_457 : i32 to vector<16xi32>
      %parallel_loop3A_459 = arith.muli %parallel_loop3A_438, %parallel_loop3A_458 : vector<16xi32>
      %parallel_loop3A_460 = arith.addi %parallel_loop3A_459, %parallel_loop3A_447 : vector<16xi32>
      %parallel_loop3A_461 = arith.constant 20 : i32
      %parallel_loop3A_462 = vector.broadcast %parallel_loop3A_461 : i32 to vector<16xi32>
      %parallel_loop3A_463 = arith.muli %parallel_loop3A_460, %parallel_loop3A_462 : vector<16xi32>
      %parallel_loop3A_464 = arith.addi %parallel_loop3A_463, %parallel_loop3A_456 : vector<16xi32>
      tpu.vector_store_idx %arg5[%parallel_loop3A_464], %broadcast_in_dim3A_40 {add = true} : memref<8192xf32, #tpu.memory_space<vmem>>[vector<16xi32>], vector<16xf32>,
      %parallel_loop3A_465 = tpu.vector_load_idx %arg4[%broadcast_in_dim3A_100, %parallel_loop3A_219] : memref<32x2048xi32, #tpu.memory_space<vmem>>[vector<16xi32>, vector<16xi32>], vector<16xi32>,
      %parallel_loop3A_466 = arith.constant 20 : i32
      %parallel_loop3A_467 = vector.broadcast %parallel_loop3A_466 : i32 to vector<16xi32>
      %parallel_loop3A_468 = arith.muli %parallel_loop3A_447, %parallel_loop3A_467 : vector<16xi32>
      %parallel_loop3A_469 = arith.addi %parallel_loop3A_468, %parallel_loop3A_456 : vector<16xi32>
      %parallel_loop3A_470 = arith.constant 20 : i32
      %parallel_loop3A_471 = vector.broadcast %parallel_loop3A_470 : i32 to vector<16xi32>
      %parallel_loop3A_472 = arith.muli %parallel_loop3A_469, %parallel_loop3A_471 : vector<16xi32>
      %parallel_loop3A_473 = arith.addi %parallel_loop3A_472, %parallel_loop3A_465 : vector<16xi32>
      tpu.vector_store_idx %arg5[%parallel_loop3A_473], %broadcast_in_dim3A_40 {add = true} : memref<8192xf32, #tpu.memory_space<vmem>>[vector<16xi32>], vector<16xf32>,
      %parallel_loop3A_474 = tpu.vector_load_idx %arg4[%broadcast_in_dim3A_102, %parallel_loop3A_219] : memref<32x2048xi32, #tpu.memory_space<vmem>>[vector<16xi32>, vector<16xi32>], vector<16xi32>,
      %parallel_loop3A_475 = arith.constant 20 : i32
      %parallel_loop3A_476 = vector.broadcast %parallel_loop3A_475 : i32 to vector<16xi32>
      %parallel_loop3A_477 = arith.muli %parallel_loop3A_456, %parallel_loop3A_476 : vector<16xi32>
      %parallel_loop3A_478 = arith.addi %parallel_loop3A_477, %parallel_loop3A_465 : vector<16xi32>
      %parallel_loop3A_479 = arith.constant 20 : i32
      %parallel_loop3A_480 = vector.broadcast %parallel_loop3A_479 : i32 to vector<16xi32>
      %parallel_loop3A_481 = arith.muli %parallel_loop3A_478, %parallel_loop3A_480 : vector<16xi32>
      %parallel_loop3A_482 = arith.addi %parallel_loop3A_481, %parallel_loop3A_474 : vector<16xi32>
      tpu.vector_store_idx %arg5[%parallel_loop3A_482], %broadcast_in_dim3A_40 {add = true} : memref<8192xf32, #tpu.memory_space<vmem>>[vector<16xi32>], vector<16xf32>,
      %parallel_loop3A_483 = tpu.vector_load_idx %arg4[%broadcast_in_dim3A_104, %parallel_loop3A_219] : memref<32x2048xi32, #tpu.memory_space<vmem>>[vector<16xi32>, vector<16xi32>], vector<16xi32>,
      %parallel_loop3A_484 = arith.constant 20 : i32
      %parallel_loop3A_485 = vector.broadcast %parallel_loop3A_484 : i32 to vector<16xi32>
      %parallel_loop3A_486 = arith.muli %parallel_loop3A_465, %parallel_loop3A_485 : vector<16xi32>
      %parallel_loop3A_487 = arith.addi %parallel_loop3A_486, %parallel_loop3A_474 : vector<16xi32>
      %parallel_loop3A_488 = arith.constant 20 : i32
      %parallel_loop3A_489 = vector.broadcast %parallel_loop3A_488 : i32 to vector<16xi32>
      %parallel_loop3A_490 = arith.muli %parallel_loop3A_487, %parallel_loop3A_489 : vector<16xi32>
      %parallel_loop3A_491 = arith.addi %parallel_loop3A_490, %parallel_loop3A_483 : vector<16xi32>
      tpu.vector_store_idx %arg5[%parallel_loop3A_491], %broadcast_in_dim3A_40 {add = true} : memref<8192xf32, #tpu.memory_space<vmem>>[vector<16xi32>], vector<16xf32>,
    } {sc.loop_unroll_factor = 2 : i64, sc.parallel_access}
    %mul3A_108 = arith.constant 8192 : i32
    %mul3A_109 = arith.muli %arg1, %mul3A_108 : i32
    "tpu.region"() ({
      %run_scoped3A = tpu.sem_alloc : memref<!tpu.dma_semaphore, #tpu.memory_space<semaphore_mem>>
      %dma_start3A_217 = tpu.memref_slice %arg8[%mul3A_109] : memref<131072xf32, #tpu.memory_space<vmem_shared>> -> memref<8192xf32, #tpu.memory_space<vmem_shared>>
      %dma_start3A_218 = tpu.memref_slice %arg8[%mul3A_109] : memref<131072xf32, #tpu.memory_space<vmem_shared>> -> memref<8192xf32, #tpu.memory_space<vmem_shared>>
      tpu.enqueue_dma source(%arg5 : memref<8192xf32, #tpu.memory_space<vmem>>) target(%dma_start3A_218 : memref<8192xf32, #tpu.memory_space<vmem_shared>>) target_semaphore(%run_scoped3A : memref<!tpu.dma_semaphore, #tpu.memory_space<semaphore_mem>>)
      %dma_wait3A_219 = tpu.memref_slice %arg8[%mul3A_109] : memref<131072xf32, #tpu.memory_space<vmem_shared>> -> memref<8192xf32, #tpu.memory_space<vmem_shared>>
      %dma_wait3A_220 = tpu.memref_slice %arg8[%mul3A_109] : memref<131072xf32, #tpu.memory_space<vmem_shared>> -> memref<8192xf32, #tpu.memory_space<vmem_shared>>
      tpu.wait_dma2 semaphore(%run_scoped3A : memref<!tpu.dma_semaphore, #tpu.memory_space<semaphore_mem>>) src(%arg5 : memref<8192xf32, #tpu.memory_space<vmem>>) dst(%dma_wait3A_220 : memref<8192xf32, #tpu.memory_space<vmem_shared>>)
      tpu.yield
    }) : () -> ()
    %barrier3A = arith.constant 0 : index
    tpu.barrier barrier_id(%barrier3A)
    %jit3A_110 = arith.constant 8 : i32
    %div3A_111 = arith.divsi %arg1, %jit3A_110 : i32
    %sign3A_112 = arith.constant 0 : i32
    %sign3A_113 = arith.cmpi sgt, %arg1, %sign3A_112 : i32
    %sign3A_114 = arith.extui %sign3A_113 : i1 to i32
    %sign3A_115 = arith.constant 0 : i32
    %sign3A_116 = arith.cmpi slt, %arg1, %sign3A_115 : i32
    %sign3A_117 = arith.extui %sign3A_116 : i1 to i32
    %sign3A_118 = arith.subi %sign3A_114, %sign3A_117 : i32
    %sign3A_119 = arith.constant 0 : i32
    %sign3A_120 = arith.cmpi sgt, %jit3A_110, %sign3A_119 : i32
    %sign3A_121 = arith.extui %sign3A_120 : i1 to i32
    %sign3A_122 = arith.constant 0 : i32
    %sign3A_123 = arith.cmpi slt, %jit3A_110, %sign3A_122 : i32
    %sign3A_124 = arith.extui %sign3A_123 : i1 to i32
    %sign3A_125 = arith.subi %sign3A_121, %sign3A_124 : i32
    %ne3A_126 = arith.cmpi ne, %sign3A_118, %sign3A_125 : i32
    %rem3A_127 = arith.remsi %arg1, %jit3A_110 : i32
    %ne3A_128 = arith.constant 0 : i32
    %ne3A_129 = arith.cmpi ne, %rem3A_127, %ne3A_128 : i32
    %and3A_130 = arith.andi %ne3A_126, %ne3A_129 : i1
    %sub3A_131 = arith.constant 1 : i32
    %sub3A_132 = arith.subi %div3A_111, %sub3A_131 : i32
    %select_n3A_133 = arith.select %and3A_130, %sub3A_132, %div3A_111 : i32
    %jit3A_134 = arith.constant 8 : i32
    %eq3A_135 = arith.constant 0 : i32
    %eq3A_136 = arith.cmpi eq, %jit3A_134, %eq3A_135 : i32
    %jit3A_137 = arith.constant 1 : i32
    %select_n3A_138 = arith.select %eq3A_136, %jit3A_137, %jit3A_134 : i32
    %rem3A_139 = arith.remsi %arg1, %select_n3A_138 : i32
    %ne3A_140 = arith.constant 0 : i32
    %ne3A_141 = arith.cmpi ne, %rem3A_139, %ne3A_140 : i32
    %lt3A_142 = arith.constant 0 : i32
    %lt3A_143 = arith.cmpi slt, %rem3A_139, %lt3A_142 : i32
    %lt3A_144 = arith.constant 0 : i32
    %lt3A_145 = arith.cmpi slt, %select_n3A_138, %lt3A_144 : i32
    %ne3A_146 = arith.xori %lt3A_143, %lt3A_145 : i1
    %and3A_147 = arith.andi %ne3A_146, %ne3A_141 : i1
    %add3A_148 = arith.addi %rem3A_139, %select_n3A_138 : i32
    %select_n3A_149 = arith.select %and3A_147, %add3A_148, %rem3A_139 : i32
    %mul3A_150 = arith.constant 1024 : i32
    %mul3A_151 = arith.muli %select_n3A_149, %mul3A_150 : i32
    %mul3A_152 = arith.constant 8 : i32
    %mul3A_153 = arith.muli %select_n3A_133, %mul3A_152 : i32
    %add3A_154 = arith.constant 0 : i32
    %add3A_155 = arith.addi %mul3A_153, %add3A_154 : i32
    %mul3A_156 = arith.constant 8192 : i32
    %mul3A_157 = arith.muli %add3A_155, %mul3A_156 : i32
    %add3A_158 = arith.addi %mul3A_157, %mul3A_151 : i32
    "tpu.region"() ({
      %run_scoped3A = tpu.sem_alloc : memref<!tpu.dma_semaphore, #tpu.memory_space<semaphore_mem>>
      %dma_start3A_217 = arith.constant 0 : i32
      %dma_start3A_218 = tpu.memref_slice %arg6[%dma_start3A_217] : memref<8192xf32, #tpu.memory_space<vmem>> -> memref<1024xf32, #tpu.memory_space<vmem>>
      %dma_start3A_219 = tpu.memref_slice %arg8[%add3A_158] : memref<131072xf32, #tpu.memory_space<vmem_shared>> -> memref<1024xf32, #tpu.memory_space<vmem_shared>>
      %dma_start3A_220 = arith.constant 0 : i32
      %dma_start3A_221 = tpu.memref_slice %arg6[%dma_start3A_220] : memref<8192xf32, #tpu.memory_space<vmem>> -> memref<1024xf32, #tpu.memory_space<vmem>>
      %dma_start3A_222 = tpu.memref_slice %arg8[%add3A_158] : memref<131072xf32, #tpu.memory_space<vmem_shared>> -> memref<1024xf32, #tpu.memory_space<vmem_shared>>
      tpu.enqueue_dma source(%dma_start3A_222 : memref<1024xf32, #tpu.memory_space<vmem_shared>>) target(%dma_start3A_221 : memref<1024xf32, #tpu.memory_space<vmem>>) target_semaphore(%run_scoped3A : memref<!tpu.dma_semaphore, #tpu.memory_space<semaphore_mem>>)
      %dma_wait3A_223 = arith.constant 0 : i32
      %dma_wait3A_224 = tpu.memref_slice %arg6[%dma_wait3A_223] : memref<8192xf32, #tpu.memory_space<vmem>> -> memref<1024xf32, #tpu.memory_space<vmem>>
      %dma_wait3A_225 = tpu.memref_slice %arg8[%add3A_158] : memref<131072xf32, #tpu.memory_space<vmem_shared>> -> memref<1024xf32, #tpu.memory_space<vmem_shared>>
      %dma_wait3A_226 = arith.constant 0 : i32
      %dma_wait3A_227 = tpu.memref_slice %arg6[%dma_wait3A_226] : memref<8192xf32, #tpu.memory_space<vmem>> -> memref<1024xf32, #tpu.memory_space<vmem>>
      %dma_wait3A_228 = tpu.memref_slice %arg8[%add3A_158] : memref<131072xf32, #tpu.memory_space<vmem_shared>> -> memref<1024xf32, #tpu.memory_space<vmem_shared>>
      tpu.wait_dma2 semaphore(%run_scoped3A : memref<!tpu.dma_semaphore, #tpu.memory_space<semaphore_mem>>) src(%dma_wait3A_228 : memref<1024xf32, #tpu.memory_space<vmem_shared>>) dst(%dma_wait3A_227 : memref<1024xf32, #tpu.memory_space<vmem>>)
      tpu.yield
    }) : () -> ()
    %mul3A_159 = arith.constant 8 : i32
    %mul3A_160 = arith.muli %select_n3A_133, %mul3A_159 : i32
    %add3A_161 = arith.constant 1 : i32
    %add3A_162 = arith.addi %mul3A_160, %add3A_161 : i32
    %mul3A_163 = arith.constant 8192 : i32
    %mul3A_164 = arith.muli %add3A_162, %mul3A_163 : i32
    %add3A_165 = arith.addi %mul3A_164, %mul3A_151 : i32
    "tpu.region"() ({
      %run_scoped3A = tpu.sem_alloc : memref<!tpu.dma_semaphore, #tpu.memory_space<semaphore_mem>>
      %dma_start3A_217 = arith.constant 1024 : i32
      %dma_start3A_218 = tpu.memref_slice %arg6[%dma_start3A_217] : memref<8192xf32, #tpu.memory_space<vmem>> -> memref<1024xf32, #tpu.memory_space<vmem>>
      %dma_start3A_219 = tpu.memref_slice %arg8[%add3A_165] : memref<131072xf32, #tpu.memory_space<vmem_shared>> -> memref<1024xf32, #tpu.memory_space<vmem_shared>>
      %dma_start3A_220 = arith.constant 1024 : i32
      %dma_start3A_221 = tpu.memref_slice %arg6[%dma_start3A_220] : memref<8192xf32, #tpu.memory_space<vmem>> -> memref<1024xf32, #tpu.memory_space<vmem>>
      %dma_start3A_222 = tpu.memref_slice %arg8[%add3A_165] : memref<131072xf32, #tpu.memory_space<vmem_shared>> -> memref<1024xf32, #tpu.memory_space<vmem_shared>>
      tpu.enqueue_dma source(%dma_start3A_222 : memref<1024xf32, #tpu.memory_space<vmem_shared>>) target(%dma_start3A_221 : memref<1024xf32, #tpu.memory_space<vmem>>) target_semaphore(%run_scoped3A : memref<!tpu.dma_semaphore, #tpu.memory_space<semaphore_mem>>)
      %dma_wait3A_223 = arith.constant 1024 : i32
      %dma_wait3A_224 = tpu.memref_slice %arg6[%dma_wait3A_223] : memref<8192xf32, #tpu.memory_space<vmem>> -> memref<1024xf32, #tpu.memory_space<vmem>>
      %dma_wait3A_225 = tpu.memref_slice %arg8[%add3A_165] : memref<131072xf32, #tpu.memory_space<vmem_shared>> -> memref<1024xf32, #tpu.memory_space<vmem_shared>>
      %dma_wait3A_226 = arith.constant 1024 : i32
      %dma_wait3A_227 = tpu.memref_slice %arg6[%dma_wait3A_226] : memref<8192xf32, #tpu.memory_space<vmem>> -> memref<1024xf32, #tpu.memory_space<vmem>>
      %dma_wait3A_228 = tpu.memref_slice %arg8[%add3A_165] : memref<131072xf32, #tpu.memory_space<vmem_shared>> -> memref<1024xf32, #tpu.memory_space<vmem_shared>>
      tpu.wait_dma2 semaphore(%run_scoped3A : memref<!tpu.dma_semaphore, #tpu.memory_space<semaphore_mem>>) src(%dma_wait3A_228 : memref<1024xf32, #tpu.memory_space<vmem_shared>>) dst(%dma_wait3A_227 : memref<1024xf32, #tpu.memory_space<vmem>>)
      tpu.yield
    }) : () -> ()
    %mul3A_166 = arith.constant 8 : i32
    %mul3A_167 = arith.muli %select_n3A_133, %mul3A_166 : i32
    %add3A_168 = arith.constant 2 : i32
    %add3A_169 = arith.addi %mul3A_167, %add3A_168 : i32
    %mul3A_170 = arith.constant 8192 : i32
    %mul3A_171 = arith.muli %add3A_169, %mul3A_170 : i32
    %add3A_172 = arith.addi %mul3A_171, %mul3A_151 : i32
    "tpu.region"() ({
      %run_scoped3A = tpu.sem_alloc : memref<!tpu.dma_semaphore, #tpu.memory_space<semaphore_mem>>
      %dma_start3A_217 = arith.constant 2048 : i32
      %dma_start3A_218 = tpu.memref_slice %arg6[%dma_start3A_217] : memref<8192xf32, #tpu.memory_space<vmem>> -> memref<1024xf32, #tpu.memory_space<vmem>>
      %dma_start3A_219 = tpu.memref_slice %arg8[%add3A_172] : memref<131072xf32, #tpu.memory_space<vmem_shared>> -> memref<1024xf32, #tpu.memory_space<vmem_shared>>
      %dma_start3A_220 = arith.constant 2048 : i32
      %dma_start3A_221 = tpu.memref_slice %arg6[%dma_start3A_220] : memref<8192xf32, #tpu.memory_space<vmem>> -> memref<1024xf32, #tpu.memory_space<vmem>>
      %dma_start3A_222 = tpu.memref_slice %arg8[%add3A_172] : memref<131072xf32, #tpu.memory_space<vmem_shared>> -> memref<1024xf32, #tpu.memory_space<vmem_shared>>
      tpu.enqueue_dma source(%dma_start3A_222 : memref<1024xf32, #tpu.memory_space<vmem_shared>>) target(%dma_start3A_221 : memref<1024xf32, #tpu.memory_space<vmem>>) target_semaphore(%run_scoped3A : memref<!tpu.dma_semaphore, #tpu.memory_space<semaphore_mem>>)
      %dma_wait3A_223 = arith.constant 2048 : i32
      %dma_wait3A_224 = tpu.memref_slice %arg6[%dma_wait3A_223] : memref<8192xf32, #tpu.memory_space<vmem>> -> memref<1024xf32, #tpu.memory_space<vmem>>
      %dma_wait3A_225 = tpu.memref_slice %arg8[%add3A_172] : memref<131072xf32, #tpu.memory_space<vmem_shared>> -> memref<1024xf32, #tpu.memory_space<vmem_shared>>
      %dma_wait3A_226 = arith.constant 2048 : i32
      %dma_wait3A_227 = tpu.memref_slice %arg6[%dma_wait3A_226] : memref<8192xf32, #tpu.memory_space<vmem>> -> memref<1024xf32, #tpu.memory_space<vmem>>
      %dma_wait3A_228 = tpu.memref_slice %arg8[%add3A_172] : memref<131072xf32, #tpu.memory_space<vmem_shared>> -> memref<1024xf32, #tpu.memory_space<vmem_shared>>
      tpu.wait_dma2 semaphore(%run_scoped3A : memref<!tpu.dma_semaphore, #tpu.memory_space<semaphore_mem>>) src(%dma_wait3A_228 : memref<1024xf32, #tpu.memory_space<vmem_shared>>) dst(%dma_wait3A_227 : memref<1024xf32, #tpu.memory_space<vmem>>)
      tpu.yield
    }) : () -> ()
    %mul3A_173 = arith.constant 8 : i32
    %mul3A_174 = arith.muli %select_n3A_133, %mul3A_173 : i32
    %add3A_175 = arith.constant 3 : i32
    %add3A_176 = arith.addi %mul3A_174, %add3A_175 : i32
    %mul3A_177 = arith.constant 8192 : i32
    %mul3A_178 = arith.muli %add3A_176, %mul3A_177 : i32
    %add3A_179 = arith.addi %mul3A_178, %mul3A_151 : i32
    "tpu.region"() ({
      %run_scoped3A = tpu.sem_alloc : memref<!tpu.dma_semaphore, #tpu.memory_space<semaphore_mem>>
      %dma_start3A_217 = arith.constant 3072 : i32
      %dma_start3A_218 = tpu.memref_slice %arg6[%dma_start3A_217] : memref<8192xf32, #tpu.memory_space<vmem>> -> memref<1024xf32, #tpu.memory_space<vmem>>
      %dma_start3A_219 = tpu.memref_slice %arg8[%add3A_179] : memref<131072xf32, #tpu.memory_space<vmem_shared>> -> memref<1024xf32, #tpu.memory_space<vmem_shared>>
      %dma_start3A_220 = arith.constant 3072 : i32
      %dma_start3A_221 = tpu.memref_slice %arg6[%dma_start3A_220] : memref<8192xf32, #tpu.memory_space<vmem>> -> memref<1024xf32, #tpu.memory_space<vmem>>
      %dma_start3A_222 = tpu.memref_slice %arg8[%add3A_179] : memref<131072xf32, #tpu.memory_space<vmem_shared>> -> memref<1024xf32, #tpu.memory_space<vmem_shared>>
      tpu.enqueue_dma source(%dma_start3A_222 : memref<1024xf32, #tpu.memory_space<vmem_shared>>) target(%dma_start3A_221 : memref<1024xf32, #tpu.memory_space<vmem>>) target_semaphore(%run_scoped3A : memref<!tpu.dma_semaphore, #tpu.memory_space<semaphore_mem>>)
      %dma_wait3A_223 = arith.constant 3072 : i32
      %dma_wait3A_224 = tpu.memref_slice %arg6[%dma_wait3A_223] : memref<8192xf32, #tpu.memory_space<vmem>> -> memref<1024xf32, #tpu.memory_space<vmem>>
      %dma_wait3A_225 = tpu.memref_slice %arg8[%add3A_179] : memref<131072xf32, #tpu.memory_space<vmem_shared>> -> memref<1024xf32, #tpu.memory_space<vmem_shared>>
      %dma_wait3A_226 = arith.constant 3072 : i32
      %dma_wait3A_227 = tpu.memref_slice %arg6[%dma_wait3A_226] : memref<8192xf32, #tpu.memory_space<vmem>> -> memref<1024xf32, #tpu.memory_space<vmem>>
      %dma_wait3A_228 = tpu.memref_slice %arg8[%add3A_179] : memref<131072xf32, #tpu.memory_space<vmem_shared>> -> memref<1024xf32, #tpu.memory_space<vmem_shared>>
      tpu.wait_dma2 semaphore(%run_scoped3A : memref<!tpu.dma_semaphore, #tpu.memory_space<semaphore_mem>>) src(%dma_wait3A_228 : memref<1024xf32, #tpu.memory_space<vmem_shared>>) dst(%dma_wait3A_227 : memref<1024xf32, #tpu.memory_space<vmem>>)
      tpu.yield
    }) : () -> ()
    %mul3A_180 = arith.constant 8 : i32
    %mul3A_181 = arith.muli %select_n3A_133, %mul3A_180 : i32
    %add3A_182 = arith.constant 4 : i32
    %add3A_183 = arith.addi %mul3A_181, %add3A_182 : i32
    %mul3A_184 = arith.constant 8192 : i32
    %mul3A_185 = arith.muli %add3A_183, %mul3A_184 : i32
    %add3A_186 = arith.addi %mul3A_185, %mul3A_151 : i32
    "tpu.region"() ({
      %run_scoped3A = tpu.sem_alloc : memref<!tpu.dma_semaphore, #tpu.memory_space<semaphore_mem>>
      %dma_start3A_217 = arith.constant 4096 : i32
      %dma_start3A_218 = tpu.memref_slice %arg6[%dma_start3A_217] : memref<8192xf32, #tpu.memory_space<vmem>> -> memref<1024xf32, #tpu.memory_space<vmem>>
      %dma_start3A_219 = tpu.memref_slice %arg8[%add3A_186] : memref<131072xf32, #tpu.memory_space<vmem_shared>> -> memref<1024xf32, #tpu.memory_space<vmem_shared>>
      %dma_start3A_220 = arith.constant 4096 : i32
      %dma_start3A_221 = tpu.memref_slice %arg6[%dma_start3A_220] : memref<8192xf32, #tpu.memory_space<vmem>> -> memref<1024xf32, #tpu.memory_space<vmem>>
      %dma_start3A_222 = tpu.memref_slice %arg8[%add3A_186] : memref<131072xf32, #tpu.memory_space<vmem_shared>> -> memref<1024xf32, #tpu.memory_space<vmem_shared>>
      tpu.enqueue_dma source(%dma_start3A_222 : memref<1024xf32, #tpu.memory_space<vmem_shared>>) target(%dma_start3A_221 : memref<1024xf32, #tpu.memory_space<vmem>>) target_semaphore(%run_scoped3A : memref<!tpu.dma_semaphore, #tpu.memory_space<semaphore_mem>>)
      %dma_wait3A_223 = arith.constant 4096 : i32
      %dma_wait3A_224 = tpu.memref_slice %arg6[%dma_wait3A_223] : memref<8192xf32, #tpu.memory_space<vmem>> -> memref<1024xf32, #tpu.memory_space<vmem>>
      %dma_wait3A_225 = tpu.memref_slice %arg8[%add3A_186] : memref<131072xf32, #tpu.memory_space<vmem_shared>> -> memref<1024xf32, #tpu.memory_space<vmem_shared>>
      %dma_wait3A_226 = arith.constant 4096 : i32
      %dma_wait3A_227 = tpu.memref_slice %arg6[%dma_wait3A_226] : memref<8192xf32, #tpu.memory_space<vmem>> -> memref<1024xf32, #tpu.memory_space<vmem>>
      %dma_wait3A_228 = tpu.memref_slice %arg8[%add3A_186] : memref<131072xf32, #tpu.memory_space<vmem_shared>> -> memref<1024xf32, #tpu.memory_space<vmem_shared>>
      tpu.wait_dma2 semaphore(%run_scoped3A : memref<!tpu.dma_semaphore, #tpu.memory_space<semaphore_mem>>) src(%dma_wait3A_228 : memref<1024xf32, #tpu.memory_space<vmem_shared>>) dst(%dma_wait3A_227 : memref<1024xf32, #tpu.memory_space<vmem>>)
      tpu.yield
    }) : () -> ()
    %mul3A_187 = arith.constant 8 : i32
    %mul3A_188 = arith.muli %select_n3A_133, %mul3A_187 : i32
    %add3A_189 = arith.constant 5 : i32
    %add3A_190 = arith.addi %mul3A_188, %add3A_189 : i32
    %mul3A_191 = arith.constant 8192 : i32
    %mul3A_192 = arith.muli %add3A_190, %mul3A_191 : i32
    %add3A_193 = arith.addi %mul3A_192, %mul3A_151 : i32
    "tpu.region"() ({
      %run_scoped3A = tpu.sem_alloc : memref<!tpu.dma_semaphore, #tpu.memory_space<semaphore_mem>>
      %dma_start3A_217 = arith.constant 5120 : i32
      %dma_start3A_218 = tpu.memref_slice %arg6[%dma_start3A_217] : memref<8192xf32, #tpu.memory_space<vmem>> -> memref<1024xf32, #tpu.memory_space<vmem>>
      %dma_start3A_219 = tpu.memref_slice %arg8[%add3A_193] : memref<131072xf32, #tpu.memory_space<vmem_shared>> -> memref<1024xf32, #tpu.memory_space<vmem_shared>>
      %dma_start3A_220 = arith.constant 5120 : i32
      %dma_start3A_221 = tpu.memref_slice %arg6[%dma_start3A_220] : memref<8192xf32, #tpu.memory_space<vmem>> -> memref<1024xf32, #tpu.memory_space<vmem>>
      %dma_start3A_222 = tpu.memref_slice %arg8[%add3A_193] : memref<131072xf32, #tpu.memory_space<vmem_shared>> -> memref<1024xf32, #tpu.memory_space<vmem_shared>>
      tpu.enqueue_dma source(%dma_start3A_222 : memref<1024xf32, #tpu.memory_space<vmem_shared>>) target(%dma_start3A_221 : memref<1024xf32, #tpu.memory_space<vmem>>) target_semaphore(%run_scoped3A : memref<!tpu.dma_semaphore, #tpu.memory_space<semaphore_mem>>)
      %dma_wait3A_223 = arith.constant 5120 : i32
      %dma_wait3A_224 = tpu.memref_slice %arg6[%dma_wait3A_223] : memref<8192xf32, #tpu.memory_space<vmem>> -> memref<1024xf32, #tpu.memory_space<vmem>>
      %dma_wait3A_225 = tpu.memref_slice %arg8[%add3A_193] : memref<131072xf32, #tpu.memory_space<vmem_shared>> -> memref<1024xf32, #tpu.memory_space<vmem_shared>>
      %dma_wait3A_226 = arith.constant 5120 : i32
      %dma_wait3A_227 = tpu.memref_slice %arg6[%dma_wait3A_226] : memref<8192xf32, #tpu.memory_space<vmem>> -> memref<1024xf32, #tpu.memory_space<vmem>>
      %dma_wait3A_228 = tpu.memref_slice %arg8[%add3A_193] : memref<131072xf32, #tpu.memory_space<vmem_shared>> -> memref<1024xf32, #tpu.memory_space<vmem_shared>>
      tpu.wait_dma2 semaphore(%run_scoped3A : memref<!tpu.dma_semaphore, #tpu.memory_space<semaphore_mem>>) src(%dma_wait3A_228 : memref<1024xf32, #tpu.memory_space<vmem_shared>>) dst(%dma_wait3A_227 : memref<1024xf32, #tpu.memory_space<vmem>>)
      tpu.yield
    }) : () -> ()
    %mul3A_194 = arith.constant 8 : i32
    %mul3A_195 = arith.muli %select_n3A_133, %mul3A_194 : i32
    %add3A_196 = arith.constant 6 : i32
    %add3A_197 = arith.addi %mul3A_195, %add3A_196 : i32
    %mul3A_198 = arith.constant 8192 : i32
    %mul3A_199 = arith.muli %add3A_197, %mul3A_198 : i32
    %add3A_200 = arith.addi %mul3A_199, %mul3A_151 : i32
    "tpu.region"() ({
      %run_scoped3A = tpu.sem_alloc : memref<!tpu.dma_semaphore, #tpu.memory_space<semaphore_mem>>
      %dma_start3A_217 = arith.constant 6144 : i32
      %dma_start3A_218 = tpu.memref_slice %arg6[%dma_start3A_217] : memref<8192xf32, #tpu.memory_space<vmem>> -> memref<1024xf32, #tpu.memory_space<vmem>>
      %dma_start3A_219 = tpu.memref_slice %arg8[%add3A_200] : memref<131072xf32, #tpu.memory_space<vmem_shared>> -> memref<1024xf32, #tpu.memory_space<vmem_shared>>
      %dma_start3A_220 = arith.constant 6144 : i32
      %dma_start3A_221 = tpu.memref_slice %arg6[%dma_start3A_220] : memref<8192xf32, #tpu.memory_space<vmem>> -> memref<1024xf32, #tpu.memory_space<vmem>>
      %dma_start3A_222 = tpu.memref_slice %arg8[%add3A_200] : memref<131072xf32, #tpu.memory_space<vmem_shared>> -> memref<1024xf32, #tpu.memory_space<vmem_shared>>
      tpu.enqueue_dma source(%dma_start3A_222 : memref<1024xf32, #tpu.memory_space<vmem_shared>>) target(%dma_start3A_221 : memref<1024xf32, #tpu.memory_space<vmem>>) target_semaphore(%run_scoped3A : memref<!tpu.dma_semaphore, #tpu.memory_space<semaphore_mem>>)
      %dma_wait3A_223 = arith.constant 6144 : i32
      %dma_wait3A_224 = tpu.memref_slice %arg6[%dma_wait3A_223] : memref<8192xf32, #tpu.memory_space<vmem>> -> memref<1024xf32, #tpu.memory_space<vmem>>
      %dma_wait3A_225 = tpu.memref_slice %arg8[%add3A_200] : memref<131072xf32, #tpu.memory_space<vmem_shared>> -> memref<1024xf32, #tpu.memory_space<vmem_shared>>
      %dma_wait3A_226 = arith.constant 6144 : i32
      %dma_wait3A_227 = tpu.memref_slice %arg6[%dma_wait3A_226] : memref<8192xf32, #tpu.memory_space<vmem>> -> memref<1024xf32, #tpu.memory_space<vmem>>
      %dma_wait3A_228 = tpu.memref_slice %arg8[%add3A_200] : memref<131072xf32, #tpu.memory_space<vmem_shared>> -> memref<1024xf32, #tpu.memory_space<vmem_shared>>
      tpu.wait_dma2 semaphore(%run_scoped3A : memref<!tpu.dma_semaphore, #tpu.memory_space<semaphore_mem>>) src(%dma_wait3A_228 : memref<1024xf32, #tpu.memory_space<vmem_shared>>) dst(%dma_wait3A_227 : memref<1024xf32, #tpu.memory_space<vmem>>)
      tpu.yield
    }) : () -> ()
    %mul3A_201 = arith.constant 8 : i32
    %mul3A_202 = arith.muli %select_n3A_133, %mul3A_201 : i32
    %add3A_203 = arith.constant 7 : i32
    %add3A_204 = arith.addi %mul3A_202, %add3A_203 : i32
    %mul3A_205 = arith.constant 8192 : i32
    %mul3A_206 = arith.muli %add3A_204, %mul3A_205 : i32
    %add3A_207 = arith.addi %mul3A_206, %mul3A_151 : i32
    "tpu.region"() ({
      %run_scoped3A = tpu.sem_alloc : memref<!tpu.dma_semaphore, #tpu.memory_space<semaphore_mem>>
      %dma_start3A_217 = arith.constant 7168 : i32
      %dma_start3A_218 = tpu.memref_slice %arg6[%dma_start3A_217] : memref<8192xf32, #tpu.memory_space<vmem>> -> memref<1024xf32, #tpu.memory_space<vmem>>
      %dma_start3A_219 = tpu.memref_slice %arg8[%add3A_207] : memref<131072xf32, #tpu.memory_space<vmem_shared>> -> memref<1024xf32, #tpu.memory_space<vmem_shared>>
      %dma_start3A_220 = arith.constant 7168 : i32
      %dma_start3A_221 = tpu.memref_slice %arg6[%dma_start3A_220] : memref<8192xf32, #tpu.memory_space<vmem>> -> memref<1024xf32, #tpu.memory_space<vmem>>
      %dma_start3A_222 = tpu.memref_slice %arg8[%add3A_207] : memref<131072xf32, #tpu.memory_space<vmem_shared>> -> memref<1024xf32, #tpu.memory_space<vmem_shared>>
      tpu.enqueue_dma source(%dma_start3A_222 : memref<1024xf32, #tpu.memory_space<vmem_shared>>) target(%dma_start3A_221 : memref<1024xf32, #tpu.memory_space<vmem>>) target_semaphore(%run_scoped3A : memref<!tpu.dma_semaphore, #tpu.memory_space<semaphore_mem>>)
      %dma_wait3A_223 = arith.constant 7168 : i32
      %dma_wait3A_224 = tpu.memref_slice %arg6[%dma_wait3A_223] : memref<8192xf32, #tpu.memory_space<vmem>> -> memref<1024xf32, #tpu.memory_space<vmem>>
      %dma_wait3A_225 = tpu.memref_slice %arg8[%add3A_207] : memref<131072xf32, #tpu.memory_space<vmem_shared>> -> memref<1024xf32, #tpu.memory_space<vmem_shared>>
      %dma_wait3A_226 = arith.constant 7168 : i32
      %dma_wait3A_227 = tpu.memref_slice %arg6[%dma_wait3A_226] : memref<8192xf32, #tpu.memory_space<vmem>> -> memref<1024xf32, #tpu.memory_space<vmem>>
      %dma_wait3A_228 = tpu.memref_slice %arg8[%add3A_207] : memref<131072xf32, #tpu.memory_space<vmem_shared>> -> memref<1024xf32, #tpu.memory_space<vmem_shared>>
      tpu.wait_dma2 semaphore(%run_scoped3A : memref<!tpu.dma_semaphore, #tpu.memory_space<semaphore_mem>>) src(%dma_wait3A_228 : memref<1024xf32, #tpu.memory_space<vmem_shared>>) dst(%dma_wait3A_227 : memref<1024xf32, #tpu.memory_space<vmem>>)
      tpu.yield
    }) : () -> ()
    %parallel_loop3A_208 = arith.constant 0 : i32
    %parallel_loop3A_209 = arith.constant 1024 : i32
    %parallel_loop3A_210 = arith.constant 16 : i32
    scf.for %parallel_loop3A_217 = %parallel_loop3A_208 to %parallel_loop3A_209 step %parallel_loop3A_210  : i32 {
      %parallel_loop3A_218 = arith.index_cast %parallel_loop3A_217 : i32 to index
      %parallel_loop3A_219 = tpu.vector_load %arg6[%parallel_loop3A_218] {strides = array<i32>} : memref<8192xf32, #tpu.memory_space<vmem>>, vector<16xf32>,
      %parallel_loop3A_220 = arith.constant 1024 : i32
      %parallel_loop3A_221 = arith.addi %parallel_loop3A_220, %parallel_loop3A_217 : i32
      %parallel_loop3A_222 = arith.index_cast %parallel_loop3A_221 : i32 to index
      %parallel_loop3A_223 = tpu.vector_load %arg6[%parallel_loop3A_222] {strides = array<i32>} : memref<8192xf32, #tpu.memory_space<vmem>>, vector<16xf32>,
      %parallel_loop3A_224 = arith.addf %parallel_loop3A_219, %parallel_loop3A_223 : vector<16xf32>
      %parallel_loop3A_225 = arith.constant 2048 : i32
      %parallel_loop3A_226 = arith.addi %parallel_loop3A_225, %parallel_loop3A_217 : i32
      %parallel_loop3A_227 = arith.index_cast %parallel_loop3A_226 : i32 to index
      %parallel_loop3A_228 = tpu.vector_load %arg6[%parallel_loop3A_227] {strides = array<i32>} : memref<8192xf32, #tpu.memory_space<vmem>>, vector<16xf32>,
      %parallel_loop3A_229 = arith.addf %parallel_loop3A_224, %parallel_loop3A_228 : vector<16xf32>
      %parallel_loop3A_230 = arith.constant 3072 : i32
      %parallel_loop3A_231 = arith.addi %parallel_loop3A_230, %parallel_loop3A_217 : i32
      %parallel_loop3A_232 = arith.index_cast %parallel_loop3A_231 : i32 to index
      %parallel_loop3A_233 = tpu.vector_load %arg6[%parallel_loop3A_232] {strides = array<i32>} : memref<8192xf32, #tpu.memory_space<vmem>>, vector<16xf32>,
      %parallel_loop3A_234 = arith.addf %parallel_loop3A_229, %parallel_loop3A_233 : vector<16xf32>
      %parallel_loop3A_235 = arith.constant 4096 : i32
      %parallel_loop3A_236 = arith.addi %parallel_loop3A_235, %parallel_loop3A_217 : i32
      %parallel_loop3A_237 = arith.index_cast %parallel_loop3A_236 : i32 to index
      %parallel_loop3A_238 = tpu.vector_load %arg6[%parallel_loop3A_237] {strides = array<i32>} : memref<8192xf32, #tpu.memory_space<vmem>>, vector<16xf32>,
      %parallel_loop3A_239 = arith.addf %parallel_loop3A_234, %parallel_loop3A_238 : vector<16xf32>
      %parallel_loop3A_240 = arith.constant 5120 : i32
      %parallel_loop3A_241 = arith.addi %parallel_loop3A_240, %parallel_loop3A_217 : i32
      %parallel_loop3A_242 = arith.index_cast %parallel_loop3A_241 : i32 to index
      %parallel_loop3A_243 = tpu.vector_load %arg6[%parallel_loop3A_242] {strides = array<i32>} : memref<8192xf32, #tpu.memory_space<vmem>>, vector<16xf32>,
      %parallel_loop3A_244 = arith.addf %parallel_loop3A_239, %parallel_loop3A_243 : vector<16xf32>
      %parallel_loop3A_245 = arith.constant 6144 : i32
      %parallel_loop3A_246 = arith.addi %parallel_loop3A_245, %parallel_loop3A_217 : i32
      %parallel_loop3A_247 = arith.index_cast %parallel_loop3A_246 : i32 to index
      %parallel_loop3A_248 = tpu.vector_load %arg6[%parallel_loop3A_247] {strides = array<i32>} : memref<8192xf32, #tpu.memory_space<vmem>>, vector<16xf32>,
      %parallel_loop3A_249 = arith.addf %parallel_loop3A_244, %parallel_loop3A_248 : vector<16xf32>
      %parallel_loop3A_250 = arith.constant 7168 : i32
      %parallel_loop3A_251 = arith.addi %parallel_loop3A_250, %parallel_loop3A_217 : i32
      %parallel_loop3A_252 = arith.index_cast %parallel_loop3A_251 : i32 to index
      %parallel_loop3A_253 = tpu.vector_load %arg6[%parallel_loop3A_252] {strides = array<i32>} : memref<8192xf32, #tpu.memory_space<vmem>>, vector<16xf32>,
      %parallel_loop3A_254 = arith.addf %parallel_loop3A_249, %parallel_loop3A_253 : vector<16xf32>
      %parallel_loop3A_255 = arith.index_cast %parallel_loop3A_217 : i32 to index
      %parallel_loop3A_256 = tpu.vector_load %arg7[%parallel_loop3A_255] {strides = array<i32>} : memref<1024xf32, #tpu.memory_space<vmem>>, vector<16xf32>,
      tpu.vector_store %arg7[%parallel_loop3A_255], %parallel_loop3A_254 {strides = array<i32>} : memref<1024xf32, #tpu.memory_space<vmem>>, vector<16xf32>,
    } {sc.loop_unroll_factor = 4 : i64, sc.parallel_access}
    %mul3A_211 = arith.constant 2 : i32
    %mul3A_212 = arith.muli %mul3A_211, %arg0 : i32
    %add3A_213 = arith.addi %mul3A_212, %select_n3A_133 : i32
    %mul3A_214 = arith.constant 8192 : i32
    %mul3A_215 = arith.muli %add3A_213, %mul3A_214 : i32
    %add3A_216 = arith.addi %mul3A_215, %mul3A_151 : i32
    "tpu.region"() ({
      %run_scoped3A = tpu.sem_alloc : memref<!tpu.dma_semaphore, #tpu.memory_space<semaphore_mem>>
      %dma_start3A_217 = tpu.memref_slice %arg3[%add3A_216] : memref<32768xf32, #tpu.memory_space<hbm>> -> memref<1024xf32, #tpu.memory_space<hbm>>
      %dma_start3A_218 = tpu.memref_slice %arg3[%add3A_216] : memref<32768xf32, #tpu.memory_space<hbm>> -> memref<1024xf32, #tpu.memory_space<hbm>>
      tpu.enqueue_dma source(%arg7 : memref<1024xf32, #tpu.memory_space<vmem>>) target(%dma_start3A_218 : memref<1024xf32, #tpu.memory_space<hbm>>) target_semaphore(%run_scoped3A : memref<!tpu.dma_semaphore, #tpu.memory_space<semaphore_mem>>)
      %dma_wait3A_219 = tpu.memref_slice %arg3[%add3A_216] : memref<32768xf32, #tpu.memory_space<hbm>> -> memref<1024xf32, #tpu.memory_space<hbm>>
      %dma_wait3A_220 = tpu.memref_slice %arg3[%add3A_216] : memref<32768xf32, #tpu.memory_space<hbm>> -> memref<1024xf32, #tpu.memory_space<hbm>>
      tpu.wait_dma2 semaphore(%run_scoped3A : memref<!tpu.dma_semaphore, #tpu.memory_space<semaphore_mem>>) src(%arg7 : memref<1024xf32, #tpu.memory_space<vmem>>) dst(%dma_wait3A_220 : memref<1024xf32, #tpu.memory_space<hbm>>)
      tpu.yield
    }) : () -> ()
    return
  }
}

</mosaic_0001>

<sc_bundles>
// kernel: kernel.3.cloned.1.call-start
scs
__scs_entry_jumppad:
0x0: {  	(pc) =	sbr.rel $0x88, $3  }
0x1: {  	(tag) =	ssettag $0x0;
	lr =	simm.s32 $0x1  }
0x2: {  	[smem:$0x3FA0] =	sst lr;
	_ =	strace $0xD0000000  }
0x3: {  	_ = 	snop  }
0x4: {  	_ = 	snop  }
0x5: {  	_ = 	snop  }
0x6: {  	_ = 	snop  }
0x7: {  	_ = 	snop  }
__scs_overlays_trampoline_lowered:
0x8: {  	[smem:$0x3FAF] =	sst s0  }
0x9: {  	[smem:$0x3FB0] =	sst s1  }
0xa: {  	[smem:$0x3FB1] =	sst s2  }
0xb: {  	[smem:$0x3FB2] =	sst s3  }
0xc: {  	[smem:$0x3FB3] =	sst s4  }
0xd: {  	[smem:$0x3FB4] =	sst s5  }
0xe: {  	[smem:$0x3FB5] =	sst s6  }
0xf: {  	[smem:$0x3FB6] =	sst s7  }
0x10: {  	[smem:$0x3FB7] =	sst s8  }
0x11: {  	[smem:$0x3FB8] =	sst s9;
	s0 =	simm.s32 @!p0 $0x0  }
0x12: {  	s1 =	sld [smem:$0x3F9E];
	s0 =	simm.s32 @p0 $0x1  }
0x13: {  	[smem:$0x3FB9] =	sst s0;
	s0 =	simm.s32 @!p1 $0x0  }
0x14: {  	s2 =	sld [smem:$0x3F9D];
	s0 =	simm.s32 @p1 $0x1  }
0x15: {  	[smem:$0x3FBA] =	sst s0;
	s0 =	simm.s32 @!p2 $0x0  }
0x16: {  	s3 =	sld [smem:$0x3FDB];
	s0 =	simm.s32 @p2 $0x1  }
0x17: {  	s4 =	simm.s32 $0x1BF5;
	[smem:$0x3FBC] =	sst s0  }
0x18: {  	s0 =	sld [smem:$0x3F9F];
	_ =	swait.ge [sflag:s4], $0x0  }
0x19: {  	s7 =	sld [smem:$0x3FA0]  }
0x1a: {  	s8 =	sadd.s32 $0xFFFFE003, lr  }
0x1b: {  	s9 =	sadd.s32 $0xFFFFFEF7, lr;
	s5 =	simm.s32 $0xFFFFFFFF;
	p2 =	slt.u32 s8, $0xFFFFF086  }
0x1c: {  	p1 =	slt.u32 s9, $0xF7A;
	s5 =	simm.s32 @!p2 $0x0  }
0x1d: {  	s5 =	simm.s32 @p1 $0x1;
	p0 =	seq.s32 s7, s2  }
0x1e: {  	s7 =	smul.u32 @!p0 $0xF7A, s2;
	p2 =	seq.s32 @!p0 s5, $0x0  }
0x1f: {  	s9 =	smul.u32 $0xF7A, s1;
	s8 =	simm.s32 @!p0 $0x1BF5;
	p2 =	por !p2, p0  }
0x20: {  	[sflag:s8] =	ssyncset.s32 @!p0 $0xFFFFF086;
	s6 =	sadd.s32 @!p0 s3, s7;
	s7 =	simm.s32 @!p0 $0x108  }
0x21: {  	s3 =	sadd.s32 s3, s9;
	s6 =	sadd.s32 @!p0 $0x88, s6;
	s7 =	simm.s32 @p2 $0x1082  }
0x22: {  	[simem:s7], [sflag:s8] =	dma.local @!p0 [hbm:s6], $0xF7A  }
0x23: {  	s9 =	sor.u32 $0xD0000000, s2;
	s6 =	simm.s32 $0x108;
	_ =	swait.ge @!p0 [sflag:s8], $0x0  }
0x24: {  	s3 =	sadd.s32 $0x88, s3;
	s6 =	simm.s32 @!p1 $0x1082;
	[sflag:s4] =	ssyncset.s32 $0xFFFFF086  }
0x25: {  	[simem:s6], [sflag:s4] =	dma.local [hbm:s3], $0xF7A  }
0x26: {  	[smem:$0x3FA0] =	sst s1;
	(tag) =	ssettag s2;
	_ =	strace s9  }
0x27: {  	s1 =	sld [smem:$0x3FB0]  }
0x28: {  	s2 =	sld [smem:$0x3FB1]  }
0x29: {  	s4 =	sld [smem:$0x3FB3]  }
0x2a: {  	p0 =	seq.s32 s5, $0x0;
	s5 =	sld [smem:$0x3FB4]  }
0x2b: {  	s6 =	sld [smem:$0x3FB5]  }
0x2c: {  	s7 =	sld [smem:$0x3FB6]  }
0x2d: {  	s3 =	simm.s32 $0x108;
	s8 =	sld [smem:$0x3FB7]  }
0x2e: {  	s3 =	simm.s32 @!p0 $0x1082;
	s9 =	sld [smem:$0x3FB8]  }
0x2f: {  	lr =	sadd.s32 s0, s3;
	s0 =	sld [smem:$0x3FAF]  }
0x30: {  	s3 =	sld [smem:$0x3FB2]  }
0x31: {  	[smem:$0x3FBB] =	sst s10  }
0x32: {  	s10 =	sld [smem:$0x3FB9];
	_ =	sdelay $0x3  }
0x33: {  	p0 =	seq.s32 s10, $0x1;
	s10 =	sld [smem:$0x3FBB];
	_ =	sdelay $0x3  }
0x34: {  	[smem:$0x3FBB] =	sst s10  }
0x35: {  	s10 =	sld [smem:$0x3FBA];
	_ =	sdelay $0x3  }
0x36: {  	p1 =	seq.s32 s10, $0x1;
	s10 =	sld [smem:$0x3FBB];
	_ =	sdelay $0x3  }
0x37: {  	[smem:$0x3FBB] =	sst s10  }
0x38: {  	s10 =	sld [smem:$0x3FBC]  }
0x39: {  	_ = 	snop;
	(pc) =	sbr.ind lr, $3  }
0x3a: {  	_ = 	snop  }
0x3b: {  	_ = 	snop  }
0x3c: {  	p2 =	seq.s32 s10, $0x1;
	s10 =	sld [smem:$0x3FBB]  }
0x3d: {  	_ =	shalt  }
0x3e: {  	_ =	shalt  }
0x3f: {  	_ =	shalt  }
0x40: {  	_ =	shalt  }
0x41: {  	_ =	shalt  }
0x42: {  	_ =	shalt  }
0x43: {  	_ =	shalt  }
0x44: {  	_ =	shalt  }
0x45: {  	_ =	shalt  }
0x46: {  	_ =	shalt  }
0x47: {  	_ =	shalt  }
0x48: {  	_ =	shalt  }
0x49: {  	_ =	shalt  }
0x4a: {  	_ =	shalt  }
0x4b: {  	_ =	shalt  }
0x4c: {  	_ =	shalt  }
0x4d: {  	_ =	shalt  }
0x4e: {  	_ =	shalt  }
0x4f: {  	_ =	shalt  }
0x50: {  	_ =	shalt  }
0x51: {  	_ =	shalt  }
0x52: {  	_ =	shalt  }
0x53: {  	_ =	shalt  }
0x54: {  	_ =	shalt  }
0x55: {  	_ =	shalt  }
0x56: {  	_ =	shalt  }
0x57: {  	_ =	shalt  }
0x58: {  	_ =	shalt  }
0x59: {  	_ =	shalt  }
0x5a: {  	_ =	shalt  }
0x5b: {  	_ =	shalt  }
0x5c: {  	_ =	shalt  }
0x5d: {  	_ =	shalt  }
0x5e: {  	_ =	shalt  }
0x5f: {  	_ =	shalt  }
0x60: {  	_ =	shalt  }
0x61: {  	_ =	shalt  }
0x62: {  	_ =	shalt  }
0x63: {  	_ =	shalt  }
0x64: {  	_ =	shalt  }
0x65: {  	_ =	shalt  }
0x66: {  	_ =	shalt  }
0x67: {  	_ =	shalt  }
0x68: {  	_ =	shalt  }
0x69: {  	_ =	shalt  }
0x6a: {  	_ =	shalt  }
0x6b: {  	_ =	shalt  }
0x6c: {  	_ =	shalt  }
0x6d: {  	_ =	shalt  }
0x6e: {  	_ =	shalt  }
0x6f: {  	_ =	shalt  }
0x70: {  	_ =	shalt  }
0x71: {  	_ =	shalt  }
0x72: {  	_ =	shalt  }
0x73: {  	_ =	shalt  }
0x74: {  	_ =	shalt  }
0x75: {  	_ =	shalt  }
0x76: {  	_ =	shalt  }
0x77: {  	_ =	shalt  }
0x78: {  	_ =	shalt  }
0x79: {  	_ =	shalt  }
0x7a: {  	_ =	shalt  }
0x7b: {  	_ =	shalt  }
0x7c: {  	_ =	shalt  }
0x7d: {  	_ =	shalt  }
0x7e: {  	_ =	shalt  }
0x7f: {  	_ =	shalt  }
0x80: {  	_ =	shalt  }
0x81: {  	_ =	shalt  }
0x82: {  	_ =	shalt  }
0x83: {  	_ =	shalt  }
0x84: {  	_ =	shalt  }
0x85: {  	_ =	shalt  }
0x86: {  	_ =	shalt  }
0x87: {  	_ =	shalt  }
.Lfunc_end0:
.L_simem_size_0:
called_computation_lowered:
.L_overlay_start_0:
0x88: {  	s2 =	sld [smem:$0x3FD9]  }
0x89: {  	s3 =	sld [smem:$0x3FFE];
	_ =	sdelay $0x1  }
0x8a: {  	s1 =	srdreg.scid  }
0x8b: {  	s0 =	sand.u32 $0x1, s1  }
0x8c: {  	s17 =	sshll.u32 s0, $0xA;
	s2 =	sadd.s32 s3, s2  }
0x8d: {  	s2 =	sadd.s32 s2, s17  }
0x8e: {  	[smem:$0x3FC7] =	sst s2  }
0x8f: {  	_ = 	snop  }
0x90: {  	s2 =	sld [smem:$0x3FC9];
	(tm) =	ssettm $0x1  }
0x91: {  	s18 =	sld [smem:$0x3FFB];
	_ =	sdelay $0x3  }
0x92: {  	_ =	strace s18  }
0x93: {  	s3 =	sld [smem:$0x3FFC];
	_ =	sdelay $0x3  }
0x94: {  	_ =	strace s3  }
0x95: {  	s3 =	sld [smem:$0x3FFD];
	_ =	sdelay $0x3  }
0x96: {  	_ =	strace s3  }
0x97: {  	_ =	strace $0x8FFFFFFF  }
0x98: {  	s19 =	sld [smem:$0x3FDB];
	_ =	sdelay $0x1  }
0x99: {  	s4 =	simm.s32 $_scs_section_size  }
0x9a: {  	s5 =	simm.s32 $_size__tile_overlayer_lowered;
	s6 =	simm.s32 $_tile_overlayer_lowered  }
0x9b: {  	s22 =	simm.s32 $0x1BFF;
	s21 =	sshll.u32 s6, $0x1;
	s3 =	sadd.s32 s4, s19  }
0x9c: {  	s7 =	simm.s32 $0x0;
	s20 =	sshll.u32 s5, $0x1;
	s5 =	sadd.s32 s21, s3  }
0x9d: {  	[timem:s7], [sflag:s22] =	dma.local [hbm:s5], s20  }
0x9e: {  	_ =	swait.ge [sflag:s22], s20  }
0x9f: {  	s4 =	ssub.s32 $0x0, s20;
	[sflag:s22] =	ssyncset.done $0x0  }
0xa0: {  	[sflag:s22] =	ssyncadd.s32 s4;
	_ =	sdelay $0x1  }
0xa1: {  	s23 =	simm.s32 $0x1B8B  }
0xa2: {  	_ =	swait.ge [sflag:s23], $0x1  }
0xa3: {  	[sflag:s23] =	ssyncset.done $0x0  }
0xa4: {  	s25 =	simm.s32 $0x1B8E;
	s24 =	sld [smem:$0x3FFE];
	[sflag:s23] =	ssyncadd.s32 $0xFFFFFFFF  }
0xa5: {  	s26 =	simm.s32 $execute0_lowered;
	[smem:$0x3FD2] =	sst s25  }
0xa6: {  	s5 =	sshll.u32 s26, $0x1;
	_ =	strace $0x80000046;
	[dreg:$0x1] =	wrdreg $0xFFFFFFFF  }
0xa7: {  	s28 =	simm.s32 $_size_execute0_lowered;
	s3 =	sadd.s32 s3, s5;
	[dreg:$0x0] =	wrdreg $0x0  }
0xa8: {  	s5 =	sshll.u32 s28, $0x1;
	[dreg:$0x2] =	wrdreg s3  }
0xa9: {  	[dreg:$0x3] =	wrdreg s5  }
0xaa: {  	[dreg:$0x4] =	wrdreg $0xC0  }
0xab: {  	_ =	task [dreg:s7], $0x5FFFF  }
0xac: {  	[dreg:$0x1] =	wrdreg $0xFFFFFFFF  }
0xad: {  	[dreg:$0x0] =	wrdreg $0x60  }
0xae: {  	[dreg:$0x2] =	wrdreg s2  }
0xaf: {  	[dreg:$0x3] =	wrdreg s24  }
0xb0: {  	[dreg:$0x4] =	wrdreg $0x144000  }
0xb1: {  	[dreg:$0x5] =	wrdreg $0x9  }
0xb2: {  	_ =	task.clear_ibuf [dreg:s7], $0x6FFFF;
	_ =	strace $0x90000046  }
0xb3: {  	s29 =	simm.s32 $0x9;
	_ =	strace $0x80000048  }
0xb4: {  	_ =	swait.ge [sflag:s29], $0x1  }
0xb5: {  	[sflag:s29] =	ssyncadd.s32 $0xFFFFFFFF  }
0xb6: {  	_ =	strace $0x90000048  }
0xb7: {  	_ =	sfence  }
0xb8: {  	s30 =	sld [smem:$0x0];
	_ =	sdelay $0x2  }
0xb9: {  	s31 =	sshll.u32 s1, $0xD;
	s1 =	sshrl.u32 s1, $0x2  }
0xba: {  	s3 =	sand.u32 $0x4000, s31;
	s1 =	sadd.s32 s1, s30  }
0xbb: {  	s0 =	sor.u32 s3, s0;
	s1 =	sshll.u32 s1, $0x11  }
0xbc: {  	s0 =	sor.u32 s1, s0  }
0xbd: {  	s0 =	sadd.s32 $0x8F2B, s0  }
0xbe: {  	[sflag:s0] =	ssyncadd.remote.s32 $0x1  }
0xbf: {  	_ =	sfence.sel $0xFFFF  }
0xc0: {  	[dreg:$0x0] =	wrdreg $0xFFFFFFFF;
	(pc) =	sbr.abs _section_cstart, $3  }
0xc1: {  	[dreg:$0x1] =	wrdreg $0xFFFFFFFF  }
0xc2: {  	_ =	task.clear_ibuf [dreg:s7], $0x2FFFF;
	_ =	strace $0x9FFFFFFF  }
0xc3: {  	(tm) =	ssettm $0x7FFFFFFF  }
tec
execute0_lowered:
.L_overlay_start_1:
0x0: {  	(tag) =	ssettag $0x1  }
0x1: {  	s1 =	rddreg [dreg:$0x0]  }
0x2: {  	s0 =	srdreg.scid;
	s3 =	rddreg [dreg:$0x1]  }
0x3: {  	s11 =	stileid.u32;
	s5 =	rddreg [dreg:$0x2]  }
0x4: {  	s16 =	simm.s32 $0x20000;
	s17 =	simm.s32 $0x1;
	s18 =	simm.s32 $0x10000  }
0x5: {  	s19 =	simm.s32 $0x2;
	s20 =	simm.s32 $0x12000;
	s21 =	simm.s32 $0x12400  }
0x6: {  	s22 =	simm.s32 $0x12800;
	s23 =	simm.s32 $0x12C00;
	s24 =	simm.s32 $0x13000  }
0x7: {  	s28 =	simm.s32 $0x13C00;
	s29 =	simm.s32 $0x14000;
	s30 =	simm.s32 $0x0  }
0x8: {  	s0 =	sand.u32 $0x1, s0;
	s4 =	sshrl.u32 s11, $0x3;
	s6 =	sand.u32 $0x7, s11  }
0x9: {  	s26 =	sshll.u32 s11, $0xD;
	s2 =	sshll.u32 s0, $0x1;
	s8 =	sshll.u32 s6, $0xA  }
0xa: {  	s0 =	ssub.s32 $0x2, s0;
	s6 =	sshll.u32 s6, $0xB;
	s7 =	sor.u32 s4, s2  }
0xb: {  	s2 =	simm.s32 $0x0;
	s10 =	sshrl.u32 s0, $0x1;
	s4 =	sshll.u32 s4, $0x10  }
0xc: {  	s1 =	sadd.s32 s1, s6;
	s9 =	sshll.u32 s7, $0xD;
	[smem:$0x7FF] =	sst s2  }
0xd: {  	s0 =	ssub.s32 s0, s10;
	s25 =	sshll.u32 s7, $0x10;
	s31 =	sadd.s32 s4, s5  }
0xe: {  	s4 =	sadd.s32 s26, s5;
	s26 =	simm.s32 $0x13800;
	s9 =	sor.u32 s8, s9  }
0xf: {  	_ =	strace $0x80000047;
	s5 =	sadd.s32 s8, s31;
	s14 =	smax.u32 s0, $0x1  }
0x10: {  	s9 =	sshrl.u32 s9, $0x3;
	s6 =	sadd.s32 $0x2000, s5;
	s7 =	sadd.s32 $0x4000, s5  }
0x11: {  	s8 =	sadd.s32 $0x6000, s5;
	s10 =	sadd.s32 $0xA000, s5;
	s11 =	sadd.s32 $0xC000, s5  }
0x12: {  	s12 =	sadd.s32 $0xE000, s5;
	s13 =	sadd.s32 s9, s3;
	s3 =	sadd.s32 s25, s1  }
0x13: {  	v0 =	vimm.f32 $0.0e+00;
	v1 =	vlaneseq.u32;
	v2 =	vimm.f32 $1.000000000e+00;
	s9 =	sadd.s32 $0x8000, s5;
	s25 =	simm.s32 $0x13400;
	s13 =	sadd.s32 $0x400, s13  }
.LBB2_1:
0x14: {  	s0 =	simm.s32 $0x4000  }
0x15: {  	[tilespmem:s2], [sflag:$0x1] =	stream.strided.gather [hbm4b:s3+s0], $0x10000, s16, s0, $0x38;
	[tilespmem:$0x16400] =	vst v63  }
0x16: {  	s0 =	simm.s32 $0x10020  }
0x17: {  	[tilespmem:s0+$0xFFFFFFE0] =	vst v0  }
0x18: {  	[tilespmem:s0+$0x10] =	vst v0  }
0x19: {  	s1 =	simm.s32 $0x0;
	[tilespmem:s0+$0x0] =	vst v0  }
.LBB2_2:
0x1a: {  	s1 =	sadd.s32 $0x40, s1  }
0x1b: {  	[tilespmem:s0+$0xFFFFFFF0] =	vst v0;
	s0 =	sadd.s32 $0x40, s0;
	p0 =	slt.u32 s1, $0x1FC0  }
.Ltmp0:
0x1c: {  	[tilespmem:s0+$0xFFFFFFE0] =	vst v0;
	(pc) =	sbr.rel @p0 .LBB2_2-.Ltmp0, $3  }
0x1d: {  	_ =	sdelay $0x1  }
0x1e: {  	[tilespmem:s0+$0x10] =	vst v0  }
0x1f: {  	[tilespmem:s0+$0x0] =	vst v0  }
0x20: {  	s1 =	simm.s32 $0x0  }
0x21: {  	v3 =	vmov s1  }
0x22: {  	v4 =	vor.u32 s1, v1;
	v5 =	vshll.u32 v3, $0x3  }
0x23: {  	v4 =	vand.u32 $0x6F, v4;
	v3 =	vand.u32 $0x3C00, v5  }
0x24: {  	v6 =	vor.u32 v4, v3  }
0x25: {  	[tilespmem:s0+$0xFFFFFFF0] =	vst v0  }
0x26: {  	_ =	swait.ge [sflag:s17], $0x10000;
	v3 =	vor.u32 $0x80, v6  }
0x27: {  	[sflag:s17] =	ssyncset.done $0x0  }
0x28: {  	[sflag:s17] =	ssyncadd.s32 $0xFFFF0000  }
0x29: {  	v8 =	vor.u32 $0x100, v6;
	v7 =	vld.idx.msk [tilespmem:v6+s2+$0x0], $0xffff;
	_ =	sdelay $0x1  }
0x2a: {  	v9 =	vld.idx.msk [tilespmem:v3+s2+$0x0], $0xffff;
	_ =	sdelay $0x2  }
0x2b: {  	v8 =	vld.idx.msk [tilespmem:v8+s2+$0x0], $0xffff;
	v3 =	vmul.u32 $0x14, v7;
	_ =	sdelay $0x1  }
0x2c: {  	s15 =	simm.s32 $0x10;
	v3 =	vadd.s32 v9, v3  }
0x2d: {  	v7 =	vmov s15;
	v3 =	vmul.u32 $0x14, v3  }
0x2e: {  	v10 =	vor.u32 s15, v1;
	v7 =	vshll.u32 v7, $0x3  }
0x2f: {  	v10 =	vand.u32 $0x7F, v10;
	v11 =	vadd.s32 v8, v3;
	v3 =	vand.u32 $0x3C00, v7  }
0x30: {  	v3 =	vor.u32 v10, v3  }
0x31: {  	v12 =	vor.u32 $0x180, v6  }
0x32: {  	v13 =	vor.u32 $0x80, v3;
	_ =	sdelay $0x1  }
0x33: {  	[tilespmem:v11+s18+$0x0] =	vst.idx.add.f32.msk $0xffff, v2  }
0x34: {  	v14 =	vor.u32 $0x100, v3;
	v11 =	vld.idx.msk [tilespmem:v3+s2+$0x0], $0xffff  }
0x35: {  	v9 =	vmul.u32 $0x14, v9;
	v12 =	vld.idx.msk [tilespmem:v12+s2+$0x0], $0xffff  }
0x36: {  	v13 =	vld.idx.msk [tilespmem:v13+s2+$0x0], $0xffff  }
0x37: {  	v9 =	vadd.s32 v8, v9  }
0x38: {  	v9 =	vmul.u32 $0x14, v9  }
0x39: {  	v14 =	vld.idx.msk [tilespmem:v14+s2+$0x0], $0xffff;
	v11 =	vmul.u32 $0x14, v11  }
0x3a: {  	v9 =	vadd.s32 v12, v9  }
0x3b: {  	v15 =	vor.u32 $0x200, v6;
	v11 =	vadd.s32 v13, v11  }
0x3c: {  	v11 =	vmul.u32 $0x14, v11;
	_ =	sdelay $0x1  }
0x3d: {  	v11 =	vadd.s32 v14, v11  }
0x3e: {  	[tilespmem:v9+s18+$0x0] =	vst.idx.add.f32.msk $0xffff, v2;
	v9 =	vor.u32 $0x180, v3  }
0x3f: {  	v8 =	vmul.u32 $0x14, v8;
	v15 =	vld.idx.msk [tilespmem:v15+s2+$0x0], $0xffff;
	_ =	sdelay $0x1  }
0x40: {  	v8 =	vadd.s32 v8, v12  }
0x41: {  	v8 =	vmul.u32 $0x14, v8;
	[tilespmem:v11+s18+$0x0] =	vst.idx.add.f32.msk $0xffff, v2  }
0x42: {  	v11 =	vmul.u32 $0x14, v13;
	v9 =	vld.idx.msk [tilespmem:v9+s2+$0x0], $0xffff  }
0x43: {  	v8 =	vadd.s32 v15, v8  }
0x44: {  	v13 =	vor.u32 $0x280, v6;
	v11 =	vadd.s32 v14, v11  }
0x45: {  	v11 =	vmul.u32 $0x14, v11;
	_ =	sdelay $0x1  }
0x46: {  	v11 =	vadd.s32 v9, v11  }
0x47: {  	[tilespmem:v8+s18+$0x0] =	vst.idx.add.f32.msk $0xffff, v2;
	v8 =	vor.u32 $0x200, v3  }
0x48: {  	v12 =	vmul.u32 $0x14, v12;
	v13 =	vld.idx.msk [tilespmem:v13+s2+$0x0], $0xffff;
	_ =	sdelay $0x1  }
0x49: {  	v12 =	vadd.s32 v12, v15  }
0x4a: {  	v12 =	vmul.u32 $0x14, v12;
	[tilespmem:v11+s18+$0x0] =	vst.idx.add.f32.msk $0xffff, v2  }
0x4b: {  	v11 =	vmul.u32 $0x14, v14;
	v8 =	vld.idx.msk [tilespmem:v8+s2+$0x0], $0xffff  }
0x4c: {  	v4 =	vor.u32 v5, v4;
	v12 =	vadd.s32 v13, v12  }
0x4d: {  	v5 =	vor.u32 $0x300, v4;
	v11 =	vadd.s32 v11, v9  }
0x4e: {  	v11 =	vmul.u32 $0x14, v11;
	_ =	sdelay $0x1  }
0x4f: {  	v11 =	vadd.s32 v8, v11  }
0x50: {  	[tilespmem:v12+s18+$0x0] =	vst.idx.add.f32.msk $0xffff, v2;
	v12 =	vor.u32 $0x280, v3  }
0x51: {  	v14 =	vld.idx.msk [tilespmem:v5+s2+$0x0], $0xffff;
	v5 =	vmul.u32 $0x14, v15;
	_ =	sdelay $0x1  }
0x52: {  	v5 =	vadd.s32 v5, v13  }
0x53: {  	v5 =	vmul.u32 $0x14, v5;
	[tilespmem:v11+s18+$0x0] =	vst.idx.add.f32.msk $0xffff, v2  }
0x54: {  	v9 =	vmul.u32 $0x14, v9;
	v11 =	vld.idx.msk [tilespmem:v12+s2+$0x0], $0xffff  }
0x55: {  	v5 =	vadd.s32 v14, v5  }
0x56: {  	v9 =	vadd.s32 v9, v8;
	v12 =	vor.u32 $0x380, v4  }
0x57: {  	v9 =	vmul.u32 $0x14, v9;
	_ =	sdelay $0x1  }
0x58: {  	v9 =	vadd.s32 v11, v9  }
0x59: {  	[tilespmem:v5+s18+$0x0] =	vst.idx.add.f32.msk $0xffff, v2;
	v5 =	vor.u32 $0x300, v3  }
0x5a: {  	v13 =	vmul.u32 $0x14, v13;
	v12 =	vld.idx.msk [tilespmem:v12+s2+$0x0], $0xffff;
	_ =	sdelay $0x1  }
0x5b: {  	v13 =	vadd.s32 v13, v14  }
0x5c: {  	v13 =	vmul.u32 $0x14, v13;
	[tilespmem:v9+s18+$0x0] =	vst.idx.add.f32.msk $0xffff, v2  }
0x5d: {  	v9 =	vld.idx.msk [tilespmem:v5+s2+$0x0], $0xffff;
	v5 =	vmul.u32 $0x14, v8  }
0x5e: {  	v8 =	vadd.s32 v12, v13  }
0x5f: {  	v13 =	vor.u32 $0x4000, v6;
	v5 =	vadd.s32 v5, v11  }
0x60: {  	v5 =	vmul.u32 $0x14, v5;
	_ =	sdelay $0x1  }
0x61: {  	v15 =	vadd.s32 v9, v5;
	v5 =	vor.u32 v7, v10  }
0x62: {  	[tilespmem:v8+s18+$0x0] =	vst.idx.add.f32.msk $0xffff, v2;
	v7 =	vor.u32 $0x380, v5  }
0x63: {  	v10 =	vmul.u32 $0x14, v14;
	v8 =	vld.idx.msk [tilespmem:v13+s2+$0x0], $0xffff;
	_ =	sdelay $0x1  }
0x64: {  	v10 =	vadd.s32 v10, v12  }
0x65: {  	v10 =	vmul.u32 $0x14, v10;
	[tilespmem:v15+s18+$0x0] =	vst.idx.add.f32.msk $0xffff, v2  }
0x66: {  	v11 =	vmul.u32 $0x14, v11;
	v7 =	vld.idx.msk [tilespmem:v7+s2+$0x0], $0xffff  }
0x67: {  	v10 =	vadd.s32 v8, v10  }
0x68: {  	v11 =	vadd.s32 v11, v9;
	v13 =	vor.u32 $0x4080, v6  }
0x69: {  	v11 =	vmul.u32 $0x14, v11;
	_ =	sdelay $0x1  }
0x6a: {  	v11 =	vadd.s32 v7, v11  }
0x6b: {  	[tilespmem:v10+s18+$0x0] =	vst.idx.add.f32.msk $0xffff, v2;
	v10 =	vor.u32 $0x4000, v3  }
0x6c: {  	v12 =	vmul.u32 $0x14, v12;
	v13 =	vld.idx.msk [tilespmem:v13+s2+$0x0], $0xffff;
	_ =	sdelay $0x1  }
0x6d: {  	v12 =	vadd.s32 v12, v8  }
0x6e: {  	v12 =	vmul.u32 $0x14, v12;
	[tilespmem:v11+s18+$0x0] =	vst.idx.add.f32.msk $0xffff, v2  }
0x6f: {  	v9 =	vmul.u32 $0x14, v9;
	v10 =	vld.idx.msk [tilespmem:v10+s2+$0x0], $0xffff  }
0x70: {  	v11 =	vadd.s32 v13, v12  }
0x71: {  	v9 =	vadd.s32 v9, v7;
	v12 =	vor.u32 $0x4100, v6  }
0x72: {  	v9 =	vmul.u32 $0x14, v9;
	_ =	sdelay $0x1  }
0x73: {  	v9 =	vadd.s32 v10, v9  }
0x74: {  	[tilespmem:v11+s18+$0x0] =	vst.idx.add.f32.msk $0xffff, v2;
	v11 =	vor.u32 $0x4080, v3  }
0x75: {  	v8 =	vmul.u32 $0x14, v8;
	v12 =	vld.idx.msk [tilespmem:v12+s2+$0x0], $0xffff;
	_ =	sdelay $0x1  }
0x76: {  	v8 =	vadd.s32 v8, v13  }
0x77: {  	v8 =	vmul.u32 $0x14, v8;
	[tilespmem:v9+s18+$0x0] =	vst.idx.add.f32.msk $0xffff, v2  }
0x78: {  	v7 =	vmul.u32 $0x14, v7;
	v9 =	vld.idx.msk [tilespmem:v11+s2+$0x0], $0xffff  }
0x79: {  	v8 =	vadd.s32 v12, v8  }
0x7a: {  	v7 =	vadd.s32 v7, v10;
	v11 =	vor.u32 $0x4180, v6  }
0x7b: {  	s1 =	simm.s32 $0x20;
	v7 =	vmul.u32 $0x14, v7  }
0x7c: {  	v14 =	vmov s1  }
0x7d: {  	v14 =	vshll.u32 v14, $0x3;
	v15 =	vor.u32 s1, v1;
	v7 =	vadd.s32 v9, v7  }
0x7e: {  	v17 =	vor.u32 $0x4100, v3;
	v16 =	vand.u32 $0x3C00, v14;
	v15 =	vand.u32 $0x6F, v15;
	[tilespmem:v8+s18+$0x0] =	vst.idx.add.f32.msk $0xffff, v2  }
0x7f: {  	v8 =	vor.u32 v15, v16;
	v16 =	vld.idx.msk [tilespmem:v11+s2+$0x0], $0xffff;
	v11 =	vmul.u32 $0x14, v13;
	_ =	sdelay $0x1  }
0x80: {  	v11 =	vadd.s32 v11, v12  }
0x81: {  	v13 =	vor.u32 $0x80, v8;
	v11 =	vmul.u32 $0x14, v11;
	[tilespmem:v7+s18+$0x0] =	vst.idx.add.f32.msk $0xffff, v2  }
0x82: {  	v10 =	vmul.u32 $0x14, v10;
	v7 =	vor.u32 $0x100, v8;
	v17 =	vld.idx.msk [tilespmem:v17+s2+$0x0], $0xffff  }
0x83: {  	v11 =	vadd.s32 v16, v11  }
0x84: {  	v10 =	vadd.s32 v10, v9;
	v18 =	vld.idx.msk [tilespmem:v8+s2+$0x0], $0xffff  }
0x85: {  	v19 =	vor.u32 $0x4200, v6;
	v10 =	vmul.u32 $0x14, v10  }
0x86: {  	v13 =	vld.idx.msk [tilespmem:v13+s2+$0x0], $0xffff  }
0x87: {  	v20 =	vld.idx.msk [tilespmem:v7+s2+$0x0], $0xffff;
	v7 =	vadd.s32 v17, v10  }
0x88: {  	[tilespmem:v11+s18+$0x0] =	vst.idx.add.f32.msk $0xffff, v2;
	v11 =	vor.u32 $0x4180, v3  }
0x89: {  	v10 =	vmul.u32 $0x14, v18  }
0x8a: {  	v12 =	vmul.u32 $0x14, v12;
	v18 =	vld.idx.msk [tilespmem:v19+s2+$0x0], $0xffff  }
0x8b: {  	v10 =	vadd.s32 v13, v10  }
0x8c: {  	v9 =	vmul.u32 $0x14, v9;
	v12 =	vadd.s32 v12, v16;
	v10 =	vmul.u32 $0x14, v10;
	[tilespmem:v7+s18+$0x0] =	vst.idx.add.f32.msk $0xffff, v2  }
0x8d: {  	s15 =	simm.s32 $0x30;
	v21 =	vor.u32 $0x180, v8;
	v7 =	vmul.u32 $0x14, v12;
	v19 =	vld.idx.msk [tilespmem:v11+s2+$0x0], $0xffff  }
0x8e: {  	v9 =	vadd.s32 v9, v17;
	v12 =	vadd.s32 v20, v10;
	v10 =	vmov s15  }
0x8f: {  	v10 =	vshll.u32 v10, $0x3;
	v22 =	vadd.s32 v18, v7;
	v7 =	vor.u32 s15, v1  }
0x90: {  	v9 =	vmul.u32 $0x14, v9;
	v11 =	vand.u32 $0x7F, v7;
	v7 =	vand.u32 $0x3C00, v10  }
0x91: {  	v7 =	vor.u32 v11, v7  }
0x92: {  	v9 =	vadd.s32 v19, v9  }
0x93: {  	[tilespmem:v12+s18+$0x0] =	vst.idx.add.f32.msk $0xffff, v2;
	v12 =	vor.u32 $0x4200, v3  }
0x94: {  	v23 =	vor.u32 $0x4280, v6;
	v21 =	vld.idx.msk [tilespmem:v21+s2+$0x0], $0xffff  }
0x95: {  	[tilespmem:v22+s18+$0x0] =	vst.idx.add.f32.msk $0xffff, v2;
	v22 =	vor.u32 $0x80, v7  }
0x96: {  	v13 =	vmul.u32 $0x14, v13;
	v24 =	vld.idx.msk [tilespmem:v7+s2+$0x0], $0xffff  }
0x97: {  	[tilespmem:v9+s18+$0x0] =	vst.idx.add.f32.msk $0xffff, v2  }
0x98: {  	v17 =	vmul.u32 $0x14, v17;
	v9 =	vadd.s32 v20, v13;
	v13 =	vor.u32 $0x100, v7;
	v12 =	vld.idx.msk [tilespmem:v12+s2+$0x0], $0xffff  }
0x99: {  	v23 =	vld.idx.msk [tilespmem:v23+s2+$0x0], $0xffff;
	v9 =	vmul.u32 $0x14, v9  }
0x9a: {  	v16 =	vmul.u32 $0x14, v16;
	v17 =	vadd.s32 v17, v19;
	v22 =	vld.idx.msk [tilespmem:v22+s2+$0x0], $0xffff  }
0x9b: {  	v17 =	vmul.u32 $0x14, v17;
	v9 =	vadd.s32 v21, v9  }
0x9c: {  	v25 =	vor.u32 $0x200, v8;
	v16 =	vadd.s32 v16, v18  }
0x9d: {  	v16 =	vmul.u32 $0x14, v16;
	v24 =	vmul.u32 $0x14, v24;
	v13 =	vld.idx.msk [tilespmem:v13+s2+$0x0], $0xffff;
	v17 =	vadd.s32 v12, v17  }
0x9e: {  	v26 =	vor.u32 $0x4280, v3  }
0x9f: {  	v16 =	vadd.s32 v23, v16;
	v24 =	vadd.s32 v22, v24  }
0xa0: {  	v27 =	vor.u32 $0x4300, v4;
	[tilespmem:v9+s18+$0x0] =	vst.idx.add.f32.msk $0xffff, v2;
	v9 =	vmul.u32 $0x14, v24  }
0xa1: {  	v20 =	vmul.u32 $0x14, v20;
	v24 =	vld.idx.msk [tilespmem:v25+s2+$0x0], $0xffff  }
0xa2: {  	v9 =	vadd.s32 v13, v9;
	[tilespmem:v17+s18+$0x0] =	vst.idx.add.f32.msk $0xffff, v2  }
0xa3: {  	v19 =	vmul.u32 $0x14, v19;
	v17 =	vadd.s32 v20, v21;
	v20 =	vor.u32 $0x180, v7;
	v25 =	vld.idx.msk [tilespmem:v26+s2+$0x0], $0xffff  }
0xa4: {  	[tilespmem:v16+s18+$0x0] =	vst.idx.add.f32.msk $0xffff, v2;
	v16 =	vmul.u32 $0x14, v17  }
0xa5: {  	v18 =	vmul.u32 $0x14, v18;
	v19 =	vadd.s32 v19, v12;
	v17 =	vld.idx.msk [tilespmem:v27+s2+$0x0], $0xffff  }
0xa6: {  	v19 =	vmul.u32 $0x14, v19;
	v16 =	vadd.s32 v24, v16  }
0xa7: {  	v18 =	vadd.s32 v18, v23;
	v26 =	vor.u32 $0x280, v8;
	[tilespmem:v9+s18+$0x0] =	vst.idx.add.f32.msk $0xffff, v2  }
0xa8: {  	v9 =	vmul.u32 $0x14, v18;
	v18 =	vld.idx.msk [tilespmem:v20+s2+$0x0], $0xffff;
	v20 =	vmul.u32 $0x14, v22;
	v19 =	vadd.s32 v25, v19  }
0xa9: {  	v22 =	vor.u32 $0x4300, v3  }
0xaa: {  	v9 =	vadd.s32 v17, v9;
	v20 =	vadd.s32 v13, v20  }
0xab: {  	v27 =	vor.u32 $0x4380, v4;
	[tilespmem:v16+s18+$0x0] =	vst.idx.add.f32.msk $0xffff, v2;
	v16 =	vmul.u32 $0x14, v20  }
0xac: {  	v21 =	vmul.u32 $0x14, v21;
	v20 =	vld.idx.msk [tilespmem:v26+s2+$0x0], $0xffff  }
0xad: {  	v16 =	vadd.s32 v18, v16;
	[tilespmem:v19+s18+$0x0] =	vst.idx.add.f32.msk $0xffff, v2  }
0xae: {  	v12 =	vmul.u32 $0x14, v12;
	v19 =	vadd.s32 v21, v24;
	v21 =	vor.u32 $0x200, v7;
	v22 =	vld.idx.msk [tilespmem:v22+s2+$0x0], $0xffff  }
0xaf: {  	[tilespmem:v9+s18+$0x0] =	vst.idx.add.f32.msk $0xffff, v2;
	v9 =	vmul.u32 $0x14, v19  }
0xb0: {  	v23 =	vmul.u32 $0x14, v23;
	v12 =	vadd.s32 v12, v25;
	v19 =	vld.idx.msk [tilespmem:v27+s2+$0x0], $0xffff  }
0xb1: {  	v12 =	vmul.u32 $0x14, v12;
	v26 =	vadd.s32 v20, v9;
	v9 =	vor.u32 v14, v15  }
0xb2: {  	v14 =	vadd.s32 v23, v17;
	v15 =	vor.u32 $0x300, v9;
	[tilespmem:v16+s18+$0x0] =	vst.idx.add.f32.msk $0xffff, v2  }
0xb3: {  	v13 =	vmul.u32 $0x14, v13;
	v14 =	vmul.u32 $0x14, v14;
	v16 =	vld.idx.msk [tilespmem:v21+s2+$0x0], $0xffff;
	v12 =	vadd.s32 v22, v12  }
0xb4: {  	v21 =	vor.u32 $0x4380, v5  }
0xb5: {  	v13 =	vadd.s32 v13, v18;
	v14 =	vadd.s32 v19, v14  }
0xb6: {  	v13 =	vmul.u32 $0x14, v13;
	v23 =	vor.u32 $0x8000, v6;
	[tilespmem:v26+s18+$0x0] =	vst.idx.add.f32.msk $0xffff, v2  }
0xb7: {  	v24 =	vmul.u32 $0x14, v24;
	v15 =	vld.idx.msk [tilespmem:v15+s2+$0x0], $0xffff  }
0xb8: {  	v13 =	vadd.s32 v16, v13;
	[tilespmem:v12+s18+$0x0] =	vst.idx.add.f32.msk $0xffff, v2  }
0xb9: {  	v25 =	vmul.u32 $0x14, v25;
	v12 =	vadd.s32 v24, v20;
	v24 =	vor.u32 $0x280, v7;
	v21 =	vld.idx.msk [tilespmem:v21+s2+$0x0], $0xffff  }
0xba: {  	[tilespmem:v14+s18+$0x0] =	vst.idx.add.f32.msk $0xffff, v2;
	v12 =	vmul.u32 $0x14, v12  }
0xbb: {  	v17 =	vmul.u32 $0x14, v17;
	v14 =	vld.idx.msk [tilespmem:v23+s2+$0x0], $0xffff;
	v23 =	vadd.s32 v25, v22  }
0xbc: {  	v23 =	vmul.u32 $0x14, v23;
	v12 =	vadd.s32 v15, v12  }
0xbd: {  	v17 =	vadd.s32 v17, v19;
	v25 =	vor.u32 $0x380, v9;
	[tilespmem:v13+s18+$0x0] =	vst.idx.add.f32.msk $0xffff, v2  }
0xbe: {  	v18 =	vmul.u32 $0x14, v18;
	v13 =	vmul.u32 $0x14, v17;
	v17 =	vld.idx.msk [tilespmem:v24+s2+$0x0], $0xffff;
	v23 =	vadd.s32 v21, v23  }
0xbf: {  	v24 =	vor.u32 $0x8000, v3  }
0xc0: {  	v18 =	vadd.s32 v18, v16;
	v13 =	vadd.s32 v14, v13  }
0xc1: {  	v26 =	vor.u32 $0x8080, v6;
	[tilespmem:v12+s18+$0x0] =	vst.idx.add.f32.msk $0xffff, v2;
	v12 =	vmul.u32 $0x14, v18  }
0xc2: {  	v20 =	vmul.u32 $0x14, v20;
	v18 =	vld.idx.msk [tilespmem:v25+s2+$0x0], $0xffff  }
0xc3: {  	v12 =	vadd.s32 v17, v12;
	[tilespmem:v23+s18+$0x0] =	vst.idx.add.f32.msk $0xffff, v2  }
0xc4: {  	v22 =	vmul.u32 $0x14, v22;
	v20 =	vadd.s32 v20, v15;
	v23 =	vor.u32 $0x300, v7;
	v24 =	vld.idx.msk [tilespmem:v24+s2+$0x0], $0xffff  }
0xc5: {  	[tilespmem:v13+s18+$0x0] =	vst.idx.add.f32.msk $0xffff, v2;
	v13 =	vmul.u32 $0x14, v20  }
0xc6: {  	v19 =	vmul.u32 $0x14, v19;
	v22 =	vadd.s32 v22, v21;
	v20 =	vld.idx.msk [tilespmem:v26+s2+$0x0], $0xffff  }
0xc7: {  	v22 =	vmul.u32 $0x14, v22;
	v13 =	vadd.s32 v18, v13  }
0xc8: {  	v19 =	vadd.s32 v19, v14;
	v25 =	vor.u32 $0x4000, v8;
	[tilespmem:v12+s18+$0x0] =	vst.idx.add.f32.msk $0xffff, v2  }
0xc9: {  	v16 =	vmul.u32 $0x14, v16;
	v12 =	vmul.u32 $0x14, v19;
	v19 =	vld.idx.msk [tilespmem:v23+s2+$0x0], $0xffff;
	v22 =	vadd.s32 v24, v22  }
0xca: {  	v23 =	vor.u32 $0x8080, v3  }
0xcb: {  	v16 =	vadd.s32 v16, v17;
	v12 =	vadd.s32 v20, v12  }
0xcc: {  	v26 =	vor.u32 $0x8100, v6;
	[tilespmem:v13+s18+$0x0] =	vst.idx.add.f32.msk $0xffff, v2;
	v13 =	vmul.u32 $0x14, v16  }
0xcd: {  	v15 =	vmul.u32 $0x14, v15;
	v16 =	vld.idx.msk [tilespmem:v25+s2+$0x0], $0xffff  }
0xce: {  	v10 =	vor.u32 v10, v11;
	v13 =	vadd.s32 v19, v13;
	[tilespmem:v22+s18+$0x0] =	vst.idx.add.f32.msk $0xffff, v2  }
0xcf: {  	v21 =	vmul.u32 $0x14, v21;
	v11 =	vadd.s32 v15, v18;
	v15 =	vor.u32 $0x380, v10;
	v22 =	vld.idx.msk [tilespmem:v23+s2+$0x0], $0xffff  }
0xd0: {  	v11 =	vmul.u32 $0x14, v11;
	[tilespmem:v12+s18+$0x0] =	vst.idx.add.f32.msk $0xffff, v2  }
0xd1: {  	v14 =	vmul.u32 $0x14, v14;
	v21 =	vadd.s32 v21, v24;
	v12 =	vld.idx.msk [tilespmem:v26+s2+$0x0], $0xffff  }
0xd2: {  	v21 =	vmul.u32 $0x14, v21;
	v11 =	vadd.s32 v16, v11  }
0xd3: {  	v14 =	vadd.s32 v14, v20;
	v23 =	vor.u32 $0x4080, v8;
	[tilespmem:v13+s18+$0x0] =	vst.idx.add.f32.msk $0xffff, v2  }
0xd4: {  	v13 =	vmul.u32 $0x14, v14;
	v14 =	vld.idx.msk [tilespmem:v15+s2+$0x0], $0xffff;
	v15 =	vmul.u32 $0x14, v17;
	v17 =	vadd.s32 v22, v21  }
0xd5: {  	v21 =	vor.u32 $0x8100, v3  }
0xd6: {  	v13 =	vadd.s32 v12, v13;
	v15 =	vadd.s32 v15, v19  }
0xd7: {  	v25 =	vor.u32 $0x8180, v6;
	[tilespmem:v11+s18+$0x0] =	vst.idx.add.f32.msk $0xffff, v2;
	v11 =	vmul.u32 $0x14, v15  }
0xd8: {  	v18 =	vmul.u32 $0x14, v18;
	v15 =	vld.idx.msk [tilespmem:v23+s2+$0x0], $0xffff  }
0xd9: {  	v11 =	vadd.s32 v14, v11;
	[tilespmem:v17+s18+$0x0] =	vst.idx.add.f32.msk $0xffff, v2  }
0xda: {  	v17 =	vadd.s32 v18, v16;
	v18 =	vor.u32 $0x4000, v7;
	v23 =	vld.idx.msk [tilespmem:v21+s2+$0x0], $0xffff;
	v21 =	vmul.u32 $0x14, v24  }
0xdb: {  	[tilespmem:v13+s18+$0x0] =	vst.idx.add.f32.msk $0xffff, v2;
	v13 =	vmul.u32 $0x14, v17  }
0xdc: {  	v20 =	vmul.u32 $0x14, v20;
	v17 =	vld.idx.msk [tilespmem:v25+s2+$0x0], $0xffff;
	v21 =	vadd.s32 v21, v22  }
0xdd: {  	v13 =	vadd.s32 v15, v13;
	v21 =	vmul.u32 $0x14, v21  }
0xde: {  	v20 =	vadd.s32 v20, v12;
	v24 =	vor.u32 $0x4100, v8;
	[tilespmem:v11+s18+$0x0] =	vst.idx.add.f32.msk $0xffff, v2  }
0xdf: {  	v11 =	vmul.u32 $0x14, v20;
	v20 =	vld.idx.msk [tilespmem:v18+s2+$0x0], $0xffff;
	v18 =	vmul.u32 $0x14, v19;
	v19 =	vadd.s32 v23, v21  }
0xe0: {  	v21 =	vor.u32 $0x8180, v3  }
0xe1: {  	v11 =	vadd.s32 v17, v11;
	v18 =	vadd.s32 v18, v14  }
0xe2: {  	v25 =	vor.u32 $0x8200, v6;
	[tilespmem:v13+s18+$0x0] =	vst.idx.add.f32.msk $0xffff, v2;
	v13 =	vmul.u32 $0x14, v18  }
0xe3: {  	v16 =	vmul.u32 $0x14, v16;
	v26 =	vld.idx.msk [tilespmem:v24+s2+$0x0], $0xffff  }
0xe4: {  	v13 =	vadd.s32 v20, v13;
	[tilespmem:v19+s18+$0x0] =	vst.idx.add.f32.msk $0xffff, v2  }
0xe5: {  	v16 =	vadd.s32 v16, v15;
	v18 =	vor.u32 $0x4080, v7;
	v19 =	vld.idx.msk [tilespmem:v21+s2+$0x0], $0xffff;
	v21 =	vmul.u32 $0x14, v22  }
0xe6: {  	v12 =	vmul.u32 $0x14, v12;
	[tilespmem:v11+s18+$0x0] =	vst.idx.add.f32.msk $0xffff, v2;
	v11 =	vmul.u32 $0x14, v16  }
0xe7: {  	v22 =	vld.idx.msk [tilespmem:v25+s2+$0x0], $0xffff;
	v16 =	vadd.s32 v21, v23  }
0xe8: {  	v12 =	vadd.s32 v12, v17;
	v11 =	vadd.s32 v26, v11;
	v16 =	vmul.u32 $0x14, v16  }
0xe9: {  	s1 =	simm.s32 $0x40;
	v12 =	vmul.u32 $0x14, v12;
	v24 =	vor.u32 $0x4180, v8;
	[tilespmem:v13+s18+$0x0] =	vst.idx.add.f32.msk $0xffff, v2  }
0xea: {  	v21 =	vmov s1;
	v28 =	vld.idx.msk [tilespmem:v18+s2+$0x0], $0xffff;
	v18 =	vmul.u32 $0x14, v14;
	v16 =	vadd.s32 v19, v16  }
0xeb: {  	v27 =	vor.u32 $0x8280, v6;
	v25 =	vor.u32 $0x8200, v3;
	v13 =	vshll.u32 v21, $0x3  }
0xec: {  	v14 =	vor.u32 s1, v1;
	v12 =	vadd.s32 v22, v12;
	v18 =	vadd.s32 v18, v20  }
0xed: {  	v21 =	vand.u32 $0x3C00, v13;
	v14 =	vand.u32 $0x6F, v14;
	[tilespmem:v11+s18+$0x0] =	vst.idx.add.f32.msk $0xffff, v2;
	v18 =	vmul.u32 $0x14, v18  }
0xee: {  	v15 =	vmul.u32 $0x14, v15;
	v11 =	vor.u32 v14, v21;
	v21 =	vld.idx.msk [tilespmem:v24+s2+$0x0], $0xffff  }
0xef: {  	v24 =	vadd.s32 v28, v18;
	[tilespmem:v16+s18+$0x0] =	vst.idx.add.f32.msk $0xffff, v2  }
0xf0: {  	v15 =	vadd.s32 v15, v26;
	v23 =	vmul.u32 $0x14, v23;
	v16 =	vor.u32 $0x4100, v7;
	v18 =	vld.idx.msk [tilespmem:v25+s2+$0x0], $0xffff  }
0xf1: {  	[tilespmem:v12+s18+$0x0] =	vst.idx.add.f32.msk $0xffff, v2;
	v12 =	vor.u32 $0x80, v11;
	v25 =	vmul.u32 $0x14, v15  }
0xf2: {  	v17 =	vmul.u32 $0x14, v17;
	v23 =	vadd.s32 v23, v19;
	v29 =	vor.u32 $0x100, v11;
	v15 =	vld.idx.msk [tilespmem:v27+s2+$0x0], $0xffff  }
0xf3: {  	v23 =	vmul.u32 $0x14, v23;
	v30 =	vld.idx.msk [tilespmem:v11+s2+$0x0], $0xffff;
	v25 =	vadd.s32 v21, v25  }
0xf4: {  	v17 =	vadd.s32 v17, v22;
	[tilespmem:v24+s18+$0x0] =	vst.idx.add.f32.msk $0xffff, v2;
	v24 =	vor.u32 $0x4200, v8  }
0xf5: {  	v27 =	vld.idx.msk [tilespmem:v16+s2+$0x0], $0xffff;
	v16 =	vmul.u32 $0x14, v17;
	v17 =	vadd.s32 v18, v23  }
0xf6: {  	v20 =	vmul.u32 $0x14, v20;
	v33 =	vld.idx.msk [tilespmem:v12+s2+$0x0], $0xffff;
	v12 =	vor.u32 $0x8280, v3  }
0xf7: {  	v29 =	vld.idx.msk [tilespmem:v29+s2+$0x0], $0xffff;
	v16 =	vadd.s32 v15, v16  }
0xf8: {  	v20 =	vadd.s32 v20, v28;
	v23 =	vor.u32 $0x8300, v4;
	[tilespmem:v25+s18+$0x0] =	vst.idx.add.f32.msk $0xffff, v2  }
0xf9: {  	v20 =	vmul.u32 $0x14, v20;
	v25 =	vmul.u32 $0x14, v30;
	v24 =	vld.idx.msk [tilespmem:v24+s2+$0x0], $0xffff  }
0xfa: {  	[tilespmem:v17+s18+$0x0] =	vst.idx.add.f32.msk $0xffff, v2  }
0xfb: {  	v19 =	vmul.u32 $0x14, v19;
	v20 =	vadd.s32 v27, v20;
	v17 =	vld.idx.msk [tilespmem:v12+s2+$0x0], $0xffff;
	v12 =	vadd.s32 v33, v25  }
0xfc: {  	v31 =	vor.u32 $0x4180, v7;
	[tilespmem:v16+s18+$0x0] =	vst.idx.add.f32.msk $0xffff, v2;
	v12 =	vmul.u32 $0x14, v12  }
0xfd: {  	v22 =	vmul.u32 $0x14, v22;
	v19 =	vadd.s32 v19, v18;
	v16 =	vld.idx.msk [tilespmem:v23+s2+$0x0], $0xffff;
	v23 =	vmul.u32 $0x14, v26  }
0xfe: {  	v19 =	vmul.u32 $0x14, v19;
	v12 =	vadd.s32 v29, v12  }
0xff: {  	v32 =	vor.u32 $0x180, v11;
	v22 =	vadd.s32 v22, v15;
	v23 =	vadd.s32 v23, v21  }
0x100: {  	s15 =	simm.s32 $0x50;
	v22 =	vmul.u32 $0x14, v22;
	[tilespmem:v20+s18+$0x0] =	vst.idx.add.f32.msk $0xffff, v2;
	v23 =	vmul.u32 $0x14, v23;
	v25 =	vadd.s32 v17, v19  }
0x101: {  	v34 =	vmov s15;
	v26 =	vor.u32 $0x8300, v3;
	v19 =	vmul.u32 $0x14, v28;
	v28 =	vld.idx.msk [tilespmem:v31+s2+$0x0], $0xffff  }
0x102: {  	v30 =	vor.u32 $0x4280, v8;
	v31 =	vadd.s32 v24, v23;
	v20 =	vadd.s32 v16, v22  }
0x103: {  	v22 =	vshll.u32 v34, $0x3;
	v19 =	vadd.s32 v19, v27;
	[tilespmem:v12+s18+$0x0] =	vst.idx.add.f32.msk $0xffff, v2;
	v12 =	vor.u32 s15, v1  }
0x104: {  	s31 =	simm.s32 $0x60;
	v34 =	vmul.u32 $0x14, v19;
	v32 =	vld.idx.msk [tilespmem:v32+s2+$0x0], $0xffff;
	v23 =	vand.u32 $0x7F, v12;
	v12 =	vand.u32 $0x3C00, v22  }
.LBB2_4:
0x105: {  	p0 =	slt.u32 s31, $0x7E0;
	v19 =	vor.u32 v23, v12;
	[tilespmem:v25+s18+$0x0] =	vst.idx.add.f32.msk $0xffff, v2  }
0x106: {  	v12 =	vmov s31;
	v25 =	vor.u32 s31, v1;
	v34 =	vadd.s32 v28, v34;
	v35 =	vld.idx.msk [tilespmem:v26+s2+$0x0], $0xffff  }
0x107: {  	v18 =	vmul.u32 $0x14, v18;
	v26 =	vshll.u32 v12, $0x3;
	v12 =	vor.u32 $0x4200, v7;
	[tilespmem:v31+s18+$0x0] =	vst.idx.add.f32.msk $0xffff, v2  }
0x108: {  	v25 =	vand.u32 $0x6F, v25;
	v36 =	vor.u32 $0x80, v19;
	v31 =	vand.u32 $0x3C00, v26;
	v30 =	vld.idx.msk [tilespmem:v30+s2+$0x0], $0xffff  }
0x109: {  	v33 =	vmul.u32 $0x14, v33;
	v37 =	vadd.s32 v18, v17;
	[tilespmem:v20+s18+$0x0] =	vst.idx.add.f32.msk $0xffff, v2;
	v20 =	vor.u32 $0x8380, v4  }
0x10a: {  	v18 =	vor.u32 v25, v31;
	v37 =	vmul.u32 $0x14, v37;
	v31 =	vld.idx.msk [tilespmem:v19+s2+$0x0], $0xffff  }
0x10b: {  	v21 =	vmul.u32 $0x14, v21;
	v38 =	vor.u32 $0x100, v19;
	v33 =	vadd.s32 v29, v33;
	[tilespmem:v34+s18+$0x0] =	vst.idx.add.f32.msk $0xffff, v2  }
0x10c: {  	v33 =	vmul.u32 $0x14, v33;
	v37 =	vadd.s32 v35, v37;
	v34 =	vld.idx.msk [tilespmem:v12+s2+$0x0], $0xffff  }
0x10d: {  	v12 =	vadd.s32 v21, v24;
	v21 =	vmul.u32 $0x14, v27;
	v27 =	vor.u32 $0x8380, v5;
	v36 =	vld.idx.msk [tilespmem:v36+s2+$0x0], $0xffff  }
0x10e: {  	v33 =	vadd.s32 v32, v33;
	v39 =	vmul.u32 $0x14, v12;
	v20 =	vld.idx.msk [tilespmem:v20+s2+$0x0], $0xffff  }
0x10f: {  	v40 =	vor.u32 $0x200, v11;
	v15 =	vmul.u32 $0x14, v15;
	v21 =	vadd.s32 v21, v28;
	v12 =	vld.idx.msk [tilespmem:v18+s2+$0x0], $0xffff  }
0x110: {  	v39 =	vadd.s32 v30, v39;
	v21 =	vmul.u32 $0x14, v21;
	v38 =	vld.idx.msk [tilespmem:v38+s2+$0x0], $0xffff  }
0x111: {  	v41 =	vor.u32 $0x4300, v9;
	v15 =	vadd.s32 v15, v16;
	v31 =	vmul.u32 $0x14, v31;
	[tilespmem:v37+s18+$0x0] =	vst.idx.add.f32.msk $0xffff, v2  }
0x112: {  	v15 =	vmul.u32 $0x14, v15;
	v21 =	vadd.s32 v34, v21;
	v27 =	vld.idx.msk [tilespmem:v27+s2+$0x0], $0xffff  }
0x113: {  	v17 =	vmul.u32 $0x14, v17;
	v31 =	vadd.s32 v36, v31;
	[tilespmem:v33+s18+$0x0] =	vst.idx.add.f32.msk $0xffff, v2;
	v33 =	vor.u32 $0x4280, v7  }
0x114: {  	v31 =	vmul.u32 $0x14, v31;
	v15 =	vadd.s32 v20, v15;
	v37 =	vld.idx.msk [tilespmem:v40+s2+$0x0], $0xffff  }
0x115: {  	v29 =	vmul.u32 $0x14, v29;
	v17 =	vadd.s32 v17, v35;
	[tilespmem:v39+s18+$0x0] =	vst.idx.add.f32.msk $0xffff, v2;
	v39 =	vor.u32 $0xC000, v6  }
0x116: {  	v17 =	vmul.u32 $0x14, v17;
	v31 =	vadd.s32 v38, v31;
	v40 =	vld.idx.msk [tilespmem:v41+s2+$0x0], $0xffff  }
0x117: {  	v29 =	vadd.s32 v29, v32;
	v24 =	vmul.u32 $0x14, v24;
	v41 =	vor.u32 $0x180, v19;
	[tilespmem:v21+s18+$0x0] =	vst.idx.add.f32.msk $0xffff, v2  }
0x118: {  	v21 =	vmul.u32 $0x14, v29;
	v17 =	vadd.s32 v27, v17;
	v29 =	vld.idx.msk [tilespmem:v33+s2+$0x0], $0xffff  }
0x119: {  	v24 =	vadd.s32 v24, v30;
	v28 =	vmul.u32 $0x14, v28;
	[tilespmem:v15+s18+$0x0] =	vst.idx.add.f32.msk $0xffff, v2;
	v15 =	vor.u32 $0xC000, v3  }
0x11a: {  	v24 =	vmul.u32 $0x14, v24;
	v21 =	vadd.s32 v37, v21;
	v33 =	vld.idx.msk [tilespmem:v39+s2+$0x0], $0xffff  }
0x11b: {  	v16 =	vmul.u32 $0x14, v16;
	v28 =	vadd.s32 v28, v34;
	v39 =	vor.u32 $0x280, v11;
	[tilespmem:v31+s18+$0x0] =	vst.idx.add.f32.msk $0xffff, v2  }
0x11c: {  	v28 =	vmul.u32 $0x14, v28;
	v24 =	vadd.s32 v40, v24;
	v31 =	vld.idx.msk [tilespmem:v41+s2+$0x0], $0xffff  }
0x11d: {  	v36 =	vmul.u32 $0x14, v36;
	v16 =	vadd.s32 v16, v20;
	v41 =	vor.u32 $0x4380, v9;
	[tilespmem:v17+s18+$0x0] =	vst.idx.add.f32.msk $0xffff, v2  }
0x11e: {  	v16 =	vmul.u32 $0x14, v16;
	v17 =	vadd.s32 v29, v28;
	v28 =	vld.idx.msk [tilespmem:v15+s2+$0x0], $0xffff  }
0x11f: {  	v35 =	vmul.u32 $0x14, v35;
	v15 =	vadd.s32 v38, v36;
	[tilespmem:v21+s18+$0x0] =	vst.idx.add.f32.msk $0xffff, v2;
	v21 =	vor.u32 $0x4300, v7  }
0x120: {  	v15 =	vmul.u32 $0x14, v15;
	v16 =	vadd.s32 v33, v16;
	v36 =	vld.idx.msk [tilespmem:v39+s2+$0x0], $0xffff  }
0x121: {  	v32 =	vmul.u32 $0x14, v32;
	v35 =	vadd.s32 v35, v27;
	[tilespmem:v24+s18+$0x0] =	vst.idx.add.f32.msk $0xffff, v2;
	v24 =	vor.u32 $0xC080, v6  }
0x122: {  	v39 =	vadd.s32 v31, v15;
	v15 =	vmul.u32 $0x14, v35;
	v41 =	vld.idx.msk [tilespmem:v41+s2+$0x0], $0xffff  }
0x123: {  	v30 =	vmul.u32 $0x14, v30;
	v32 =	vadd.s32 v32, v37;
	v35 =	vor.u32 $0x200, v19;
	[tilespmem:v17+s18+$0x0] =	vst.idx.add.f32.msk $0xffff, v2  }
0x124: {  	v17 =	vmul.u32 $0x14, v32;
	v32 =	vadd.s32 v28, v15;
	v21 =	vld.idx.msk [tilespmem:v21+s2+$0x0], $0xffff  }
0x125: {  	v34 =	vmul.u32 $0x14, v34;
	v30 =	vadd.s32 v30, v40;
	[tilespmem:v16+s18+$0x0] =	vst.idx.add.f32.msk $0xffff, v2;
	v16 =	vor.u32 $0xC080, v3  }
0x126: {  	v30 =	vmul.u32 $0x14, v30;
	v15 =	vor.u32 v13, v14;
	v13 =	vmovc v26;
	v17 =	vadd.s32 v36, v17;
	v24 =	vld.idx.msk [tilespmem:v24+s2+$0x0], $0xffff  }
0x127: {  	v20 =	vmul.u32 $0x14, v20;
	v34 =	vadd.s32 v34, v29;
	v14 =	vmovc v25;
	v26 =	vor.u32 $0x300, v15;
	[tilespmem:v39+s18+$0x0] =	vst.idx.add.f32.msk $0xffff, v2  }
0x128: {  	v34 =	vmul.u32 $0x14, v34;
	v30 =	vadd.s32 v41, v30;
	v25 =	vld.idx.msk [tilespmem:v35+s2+$0x0], $0xffff  }
0x129: {  	v20 =	vadd.s32 v20, v33;
	v35 =	vmul.u32 $0x14, v38;
	v38 =	vor.u32 $0x8000, v8;
	[tilespmem:v32+s18+$0x0] =	vst.idx.add.f32.msk $0xffff, v2  }
0x12a: {  	v20 =	vmul.u32 $0x14, v20;
	v32 =	vadd.s32 v21, v34;
	v16 =	vld.idx.msk [tilespmem:v16+s2+$0x0], $0xffff  }
0x12b: {  	v27 =	vmul.u32 $0x14, v27;
	v34 =	vor.u32 $0x4380, v10;
	[tilespmem:v17+s18+$0x0] =	vst.idx.add.f32.msk $0xffff, v2;
	v17 =	vadd.s32 v35, v31  }
0x12c: {  	v20 =	vadd.s32 v24, v20;
	v26 =	vld.idx.msk [tilespmem:v26+s2+$0x0], $0xffff;
	v17 =	vmul.u32 $0x14, v17  }
0x12d: {  	v27 =	vadd.s32 v27, v28;
	v35 =	vmul.u32 $0x14, v37;
	[tilespmem:v30+s18+$0x0] =	vst.idx.add.f32.msk $0xffff, v2;
	v30 =	vor.u32 $0xC100, v6  }
0x12e: {  	v27 =	vmul.u32 $0x14, v27;
	v17 =	vadd.s32 v25, v17;
	v37 =	vld.idx.msk [tilespmem:v38+s2+$0x0], $0xffff  }
0x12f: {  	v39 =	vmul.u32 $0x14, v40;
	v35 =	vadd.s32 v35, v36;
	v38 =	vor.u32 $0x280, v19;
	[tilespmem:v32+s18+$0x0] =	vst.idx.add.f32.msk $0xffff, v2  }
0x130: {  	v32 =	vmul.u32 $0x14, v35;
	v27 =	vadd.s32 v16, v27;
	v34 =	vld.idx.msk [tilespmem:v34+s2+$0x0], $0xffff  }
0x131: {  	v29 =	vmul.u32 $0x14, v29;
	v35 =	vadd.s32 v39, v41;
	[tilespmem:v20+s18+$0x0] =	vst.idx.add.f32.msk $0xffff, v2;
	v20 =	vor.u32 $0xC100, v3  }
0x132: {  	v35 =	vmul.u32 $0x14, v35;
	v32 =	vadd.s32 v26, v32;
	v30 =	vld.idx.msk [tilespmem:v30+s2+$0x0], $0xffff  }
0x133: {  	v39 =	vor.u32 $0x380, v15;
	[tilespmem:v17+s18+$0x0] =	vst.idx.add.f32.msk $0xffff, v2;
	v17 =	vadd.s32 v29, v21;
	v29 =	vmul.u32 $0x14, v33  }
0x134: {  	v35 =	vadd.s32 v37, v35;
	v33 =	vld.idx.msk [tilespmem:v38+s2+$0x0], $0xffff;
	v17 =	vmul.u32 $0x14, v17  }
0x135: {  	v31 =	vmul.u32 $0x14, v31;
	v38 =	vor.u32 $0x8080, v8;
	v29 =	vadd.s32 v29, v24;
	[tilespmem:v27+s18+$0x0] =	vst.idx.add.f32.msk $0xffff, v2  }
0x136: {  	v17 =	vadd.s32 v34, v17;
	v27 =	vmul.u32 $0x14, v29;
	v20 =	vld.idx.msk [tilespmem:v20+s2+$0x0], $0xffff  }
0x137: {  	v28 =	vmul.u32 $0x14, v28;
	v29 =	vadd.s32 v31, v25;
	v31 =	vor.u32 $0x8000, v7;
	[tilespmem:v32+s18+$0x0] =	vst.idx.add.f32.msk $0xffff, v2  }
0x138: {  	v29 =	vmul.u32 $0x14, v29;
	v32 =	vld.idx.msk [tilespmem:v39+s2+$0x0], $0xffff;
	v27 =	vadd.s32 v30, v27  }
0x139: {  	v36 =	vmul.u32 $0x14, v36;
	v28 =	vadd.s32 v28, v16;
	[tilespmem:v35+s18+$0x0] =	vst.idx.add.f32.msk $0xffff, v2;
	v35 =	vor.u32 $0xC180, v6  }
0x13a: {  	v28 =	vmul.u32 $0x14, v28;
	v29 =	vadd.s32 v33, v29;
	v38 =	vld.idx.msk [tilespmem:v38+s2+$0x0], $0xffff  }
0x13b: {  	v40 =	vmul.u32 $0x14, v41;
	v36 =	vadd.s32 v36, v26;
	v39 =	vor.u32 $0x300, v19;
	[tilespmem:v17+s18+$0x0] =	vst.idx.add.f32.msk $0xffff, v2  }
0x13c: {  	v17 =	vmul.u32 $0x14, v36;
	v28 =	vadd.s32 v20, v28;
	v31 =	vld.idx.msk [tilespmem:v31+s2+$0x0], $0xffff  }
0x13d: {  	v21 =	vmul.u32 $0x14, v21;
	v36 =	vadd.s32 v40, v37;
	[tilespmem:v27+s18+$0x0] =	vst.idx.add.f32.msk $0xffff, v2;
	v27 =	vor.u32 $0xC180, v3  }
0x13e: {  	v36 =	vmul.u32 $0x14, v36;
	v17 =	vadd.s32 v32, v17;
	v35 =	vld.idx.msk [tilespmem:v35+s2+$0x0], $0xffff  }
0x13f: {  	v21 =	vadd.s32 v21, v34;
	v24 =	vmul.u32 $0x14, v24;
	v40 =	vor.u32 $0x4000, v11;
	[tilespmem:v29+s18+$0x0] =	vst.idx.add.f32.msk $0xffff, v2  }
0x140: {  	v21 =	vmul.u32 $0x14, v21;
	v36 =	vadd.s32 v38, v36;
	v29 =	vld.idx.msk [tilespmem:v39+s2+$0x0], $0xffff  }
0x141: {  	v25 =	vmul.u32 $0x14, v25;
	v24 =	vadd.s32 v24, v30;
	v39 =	vor.u32 $0x8100, v8;
	[tilespmem:v28+s18+$0x0] =	vst.idx.add.f32.msk $0xffff, v2  }
0x142: {  	v24 =	vmul.u32 $0x14, v24;
	v21 =	vadd.s32 v31, v21;
	v27 =	vld.idx.msk [tilespmem:v27+s2+$0x0], $0xffff  }
0x143: {  	v16 =	vmul.u32 $0x14, v16;
	[tilespmem:v17+s18+$0x0] =	vst.idx.add.f32.msk $0xffff, v2;
	v17 =	vadd.s32 v25, v33;
	v25 =	vor.u32 $0x8080, v7  }
0x144: {  	v24 =	vadd.s32 v35, v24;
	v28 =	vld.idx.msk [tilespmem:v40+s2+$0x0], $0xffff;
	v17 =	vmul.u32 $0x14, v17  }
0x145: {  	v26 =	vmul.u32 $0x14, v26;
	v40 =	vadd.s32 v16, v20;
	[tilespmem:v36+s18+$0x0] =	vst.idx.add.f32.msk $0xffff, v2;
	v36 =	vor.u32 $0xC200, v6  }
0x146: {  	v16 =	vor.u32 v22, v23;
	v22 =	vmul.u32 $0x14, v40;
	v17 =	vadd.s32 v29, v17;
	v23 =	vld.idx.msk [tilespmem:v39+s2+$0x0], $0xffff  }
0x147: {  	v37 =	vmul.u32 $0x14, v37;
	v26 =	vadd.s32 v26, v32;
	v39 =	vor.u32 $0x380, v16;
	[tilespmem:v21+s18+$0x0] =	vst.idx.add.f32.msk $0xffff, v2  }
0x148: {  	v21 =	vmul.u32 $0x14, v26;
	v22 =	vadd.s32 v27, v22;
	v25 =	vld.idx.msk [tilespmem:v25+s2+$0x0], $0xffff  }
0x149: {  	v34 =	vmul.u32 $0x14, v34;
	v26 =	vadd.s32 v37, v38;
	[tilespmem:v24+s18+$0x0] =	vst.idx.add.f32.msk $0xffff, v2;
	v24 =	vor.u32 $0xC200, v3  }
0x14a: {  	v26 =	vmul.u32 $0x14, v26;
	v21 =	vadd.s32 v28, v21;
	v36 =	vld.idx.msk [tilespmem:v36+s2+$0x0], $0xffff  }
0x14b: {  	v30 =	vmul.u32 $0x14, v30;
	v37 =	vor.u32 $0x4080, v11;
	[tilespmem:v17+s18+$0x0] =	vst.idx.add.f32.msk $0xffff, v2;
	v17 =	vadd.s32 v34, v31  }
0x14c: {  	v26 =	vadd.s32 v23, v26;
	v34 =	vld.idx.msk [tilespmem:v39+s2+$0x0], $0xffff;
	v17 =	vmul.u32 $0x14, v17  }
0x14d: {  	v33 =	vmul.u32 $0x14, v33;
	v30 =	vadd.s32 v30, v35;
	v39 =	vor.u32 $0x8180, v8;
	[tilespmem:v22+s18+$0x0] =	vst.idx.add.f32.msk $0xffff, v2  }
0x14e: {  	v22 =	vadd.s32 v25, v17;
	v17 =	vmul.u32 $0x14, v30;
	v24 =	vld.idx.msk [tilespmem:v24+s2+$0x0], $0xffff  }
0x14f: {  	v20 =	vmul.u32 $0x14, v20;
	v30 =	vor.u32 $0x8100, v7;
	[tilespmem:v21+s18+$0x0] =	vst.idx.add.f32.msk $0xffff, v2;
	v21 =	vadd.s32 v33, v29  }
0x150: {  	v33 =	vld.idx.msk [tilespmem:v37+s2+$0x0], $0xffff;
	v21 =	vmul.u32 $0x14, v21;
	v37 =	vadd.s32 v36, v17  }
0x151: {  	v32 =	vmul.u32 $0x14, v32;
	v20 =	vadd.s32 v20, v27;
	[tilespmem:v26+s18+$0x0] =	vst.idx.add.f32.msk $0xffff, v2;
	v26 =	vor.u32 $0xC280, v6;
	v6 =	vmovc v8  }
0x152: {  	v20 =	vmul.u32 $0x14, v20;
	v8 =	vmovc v11;
	v11 =	vmov v18;
	v21 =	vadd.s32 v34, v21;
	v17 =	vld.idx.msk [tilespmem:v39+s2+$0x0], $0xffff  }
0x153: {  	v38 =	vmul.u32 $0x14, v38;
	v18 =	vadd.s32 v32, v28;
	v32 =	vor.u32 $0x4000, v19;
	[tilespmem:v22+s18+$0x0] =	vst.idx.add.f32.msk $0xffff, v2  }
0x154: {  	v18 =	vmul.u32 $0x14, v18;
	v20 =	vadd.s32 v24, v20;
	v30 =	vld.idx.msk [tilespmem:v30+s2+$0x0], $0xffff  }
0x155: {  	v31 =	vmul.u32 $0x14, v31;
	v22 =	vadd.s32 v38, v23;
	[tilespmem:v37+s18+$0x0] =	vst.idx.add.f32.msk $0xffff, v2;
	v37 =	vor.u32 $0xC280, v3  }
0x156: {  	v22 =	vmul.u32 $0x14, v22;
	v18 =	vadd.s32 v33, v18;
	v26 =	vld.idx.msk [tilespmem:v26+s2+$0x0], $0xffff  }
0x157: {  	v38 =	vor.u32 $0x4100, v8;
	[tilespmem:v21+s18+$0x0] =	vst.idx.add.f32.msk $0xffff, v2;
	v21 =	vadd.s32 v31, v25;
	v31 =	vmul.u32 $0x14, v35  }
0x158: {  	v22 =	vadd.s32 v17, v22;
	v32 =	vld.idx.msk [tilespmem:v32+s2+$0x0], $0xffff;
	v21 =	vmul.u32 $0x14, v21  }
0x159: {  	v29 =	vmul.u32 $0x14, v29;
	v35 =	vor.u32 $0x8200, v6;
	v31 =	vadd.s32 v31, v36;
	[tilespmem:v20+s18+$0x0] =	vst.idx.add.f32.msk $0xffff, v2  }
0x15a: {  	v21 =	vadd.s32 v30, v21;
	v31 =	vmul.u32 $0x14, v31;
	v37 =	vld.idx.msk [tilespmem:v37+s2+$0x0], $0xffff  }
0x15b: {  	v27 =	vmul.u32 $0x14, v27;
	[tilespmem:v18+s18+$0x0] =	vst.idx.add.f32.msk $0xffff, v2;
	v18 =	vadd.s32 v29, v34;
	v29 =	vor.u32 $0x8180, v7  }
0x15c: {  	v20 =	vld.idx.msk [tilespmem:v38+s2+$0x0], $0xffff;
	v18 =	vmul.u32 $0x14, v18;
	v31 =	vadd.s32 v26, v31  }
0x15d: {  	v28 =	vmul.u32 $0x14, v28;
	v27 =	vadd.s32 v27, v24;
	v38 =	vor.u32 $0xC300, v4;
	[tilespmem:v22+s18+$0x0] =	vst.idx.add.f32.msk $0xffff, v2  }
0x15e: {  	v27 =	vmul.u32 $0x14, v27;
	v18 =	vadd.s32 v32, v18;
	v22 =	vld.idx.msk [tilespmem:v35+s2+$0x0], $0xffff  }
0x15f: {  	v23 =	vmul.u32 $0x14, v23;
	v28 =	vadd.s32 v28, v33;
	v35 =	vor.u32 $0x4080, v19;
	[tilespmem:v21+s18+$0x0] =	vst.idx.add.f32.msk $0xffff, v2  }
0x160: {  	v21 =	vmul.u32 $0x14, v28;
	v27 =	vadd.s32 v37, v27;
	v28 =	vld.idx.msk [tilespmem:v29+s2+$0x0], $0xffff  }
0x161: {  	v23 =	vadd.s32 v23, v17;
	v25 =	vmul.u32 $0x14, v25;
	v29 =	vor.u32 $0xC300, v3;
	v3 =	vmovc v7;
	[tilespmem:v31+s18+$0x0] =	vst.idx.add.f32.msk $0xffff, v2  }
0x162: {  	v23 =	vmul.u32 $0x14, v23;
	v7 =	vmov v19;
	v21 =	vadd.s32 v20, v21;
	v31 =	vld.idx.msk [tilespmem:v38+s2+$0x0], $0xffff  }
0x163: {  	v19 =	vor.u32 $0x4180, v8;
	[tilespmem:v18+s18+$0x0] =	vst.idx.add.f32.msk $0xffff, v2;
	v18 =	vadd.s32 v25, v30;
	v25 =	vmul.u32 $0x14, v36  }
0x164: {  	v23 =	vadd.s32 v22, v23;
	v35 =	vld.idx.msk [tilespmem:v35+s2+$0x0], $0xffff;
	v18 =	vmul.u32 $0x14, v18  }
0x165: {  	v34 =	vmul.u32 $0x14, v34;
	v36 =	vor.u32 $0x8280, v6;
	v25 =	vadd.s32 v25, v26;
	[tilespmem:v27+s18+$0x0] =	vst.idx.add.f32.msk $0xffff, v2  }
0x166: {  	v18 =	vadd.s32 v28, v18;
	v25 =	vmul.u32 $0x14, v25;
	v38 =	vld.idx.msk [tilespmem:v29+s2+$0x0], $0xffff  }
0x167: {  	v24 =	vmul.u32 $0x14, v24;
	v27 =	vadd.s32 v34, v32;
	v29 =	vor.u32 $0x8200, v3;
	[tilespmem:v21+s18+$0x0] =	vst.idx.add.f32.msk $0xffff, v2  }
0x168: {  	v21 =	vld.idx.msk [tilespmem:v19+s2+$0x0], $0xffff;
	v19 =	vmul.u32 $0x14, v27;
	v25 =	vadd.s32 v31, v25  }
0x169: {  	v24 =	vadd.s32 v24, v37;
	[tilespmem:v23+s18+$0x0] =	vst.idx.add.f32.msk $0xffff, v2;
	v23 =	vor.u32 $0xC380, v4;
	v4 =	vmovc v9;
	v9 =	vmov v15  }
0x16a: {  	v24 =	vmul.u32 $0x14, v24;
	v19 =	vadd.s32 v35, v19;
	v15 =	vld.idx.msk [tilespmem:v36+s2+$0x0], $0xffff  }
0x16b: {  	v27 =	vmul.u32 $0x14, v33;
	v33 =	vor.u32 $0x4100, v7;
	[tilespmem:v18+s18+$0x0] =	vst.idx.add.f32.msk $0xffff, v2  }
0x16c: {  	v24 =	vadd.s32 v38, v24;
	v18 =	vld.idx.msk [tilespmem:v29+s2+$0x0], $0xffff  }
0x16d: {  	v27 =	vadd.s32 v27, v20;
	v29 =	vmul.u32 $0x14, v30;
	[tilespmem:v25+s18+$0x0] =	vst.idx.add.f32.msk $0xffff, v2;
	v25 =	vor.u32 $0xC380, v5;
	v5 =	vmovc v10  }
0x16e: {  	v27 =	vmul.u32 $0x14, v27;
	v30 =	vor.u32 $0x80, v11;
	v10 =	vmov v16;
	v23 =	vld.idx.msk [tilespmem:v23+s2+$0x0], $0xffff  }
0x16f: {  	v17 =	vmul.u32 $0x14, v17;
	v16 =	vor.u32 $0x100, v11;
	[tilespmem:v19+s18+$0x0] =	vst.idx.add.f32.msk $0xffff, v2;
	v19 =	vadd.s32 v29, v28  }
0x170: {  	v34 =	vadd.s32 v21, v27;
	v27 =	vld.idx.msk [tilespmem:v33+s2+$0x0], $0xffff;
	v19 =	vmul.u32 $0x14, v19  }
0x171: {  	v17 =	vadd.s32 v17, v22;
	v26 =	vmul.u32 $0x14, v26;
	v36 =	vor.u32 $0x4200, v8;
	[tilespmem:v24+s18+$0x0] =	vst.idx.add.f32.msk $0xffff, v2  }
0x172: {  	v17 =	vmul.u32 $0x14, v17;
	v24 =	vmul.u32 $0x14, v32;
	v19 =	vadd.s32 v18, v19;
	v25 =	vld.idx.msk [tilespmem:v25+s2+$0x0], $0xffff  }
0x173: {  	v26 =	vadd.s32 v26, v31;
	v31 =	vmul.u32 $0x14, v37;
	v33 =	vld.idx.msk [tilespmem:v30+s2+$0x0], $0xffff;
	v30 =	vor.u32 $0x8280, v3  }
0x174: {  	v32 =	vadd.s32 v15, v17;
	v17 =	vmul.u32 $0x14, v26;
	v29 =	vld.idx.msk [tilespmem:v16+s2+$0x0], $0xffff;
	v16 =	vadd.s32 v24, v35  }
0x175: {  	v31 =	vadd.s32 v31, v38;
	v26 =	vor.u32 $0x8300, v4;
	[tilespmem:v34+s18+$0x0] =	vst.idx.add.f32.msk $0xffff, v2;
	v16 =	vmul.u32 $0x14, v16  }
0x176: {  	v31 =	vmul.u32 $0x14, v31;
	v23 =	vadd.s32 v23, v17;
	v24 =	vld.idx.msk [tilespmem:v36+s2+$0x0], $0xffff  }
0x177: {  	v12 =	vmul.u32 $0x14, v12;
	v34 =	vadd.s32 v27, v16;
	[tilespmem:v19+s18+$0x0] =	vst.idx.add.f32.msk $0xffff, v2  }
0x178: {  	v19 =	vadd.s32 v25, v31;
	v17 =	vld.idx.msk [tilespmem:v30+s2+$0x0], $0xffff  }
0x179: {  	v28 =	vmul.u32 $0x14, v28;
	v25 =	vor.u32 $0x4180, v7;
	v12 =	vadd.s32 v33, v12;
	[tilespmem:v32+s18+$0x0] =	vst.idx.add.f32.msk $0xffff, v2  }
0x17a: {  	v12 =	vmul.u32 $0x14, v12;
	v16 =	vld.idx.msk [tilespmem:v26+s2+$0x0], $0xffff  }
0x17b: {  	v22 =	vmul.u32 $0x14, v22;
	v20 =	vmul.u32 $0x14, v20;
	v26 =	vadd.s32 v28, v18;
	[tilespmem:v23+s18+$0x0] =	vst.idx.add.f32.msk $0xffff, v2  }
0x17c: {  	v12 =	vadd.s32 v29, v12;
	v23 =	vmul.u32 $0x14, v26;
	[tilespmem:v34+s18+$0x0] =	vst.idx.add.f32.msk $0xffff, v2  }
0x17d: {  	v20 =	vadd.s32 v20, v21;
	v22 =	vadd.s32 v22, v15;
	v32 =	vor.u32 $0x180, v11;
	[tilespmem:v19+s18+$0x0] =	vst.idx.add.f32.msk $0xffff, v2  }
.Ltmp1:
0x17e: {  	v19 =	vmul.u32 $0x14, v20;
	v20 =	vmul.u32 $0x14, v22;
	v28 =	vld.idx.msk [tilespmem:v25+s2+$0x0], $0xffff;
	v25 =	vadd.s32 v17, v23;
	(pc) =	sbr.rel @p0 .LBB2_4-.Ltmp1, $4  }
0x17f: {  	s0 =	sadd.s32 $0x10, s31;
	v30 =	vor.u32 $0x4280, v8;
	v26 =	vor.u32 $0x8300, v3;
	v23 =	vmul.u32 $0x14, v35  }
0x180: {  	v22 =	vmov s0;
	v31 =	vadd.s32 v24, v19;
	v20 =	vadd.s32 v16, v20  }
0x181: {  	v22 =	vshll.u32 v22, $0x3;
	v19 =	vadd.s32 v23, v27;
	[tilespmem:v12+s18+$0x0] =	vst.idx.add.f32.msk $0xffff, v2;
	v12 =	vor.u32 s0, v1  }
0x182: {  	s31 =	sadd.s32 $0x20, s31;
	v34 =	vmul.u32 $0x14, v19;
	v32 =	vld.idx.msk [tilespmem:v32+s2+$0x0], $0xffff;
	v23 =	vand.u32 $0x7F, v12;
	v12 =	vand.u32 $0x3C00, v22  }
0x183: {  	v12 =	vor.u32 v23, v12;
	_ =	sdelay $0x1  }
0x184: {  	v19 =	vor.u32 $0x80, v12;
	_ =	sdelay $0x2  }
0x185: {  	v36 =	vor.u32 $0x100, v12;
	v35 =	vld.idx.msk [tilespmem:v12+s2+$0x0], $0xffff;
	_ =	sdelay $0x1  }
0x186: {  	v19 =	vld.idx.msk [tilespmem:v19+s2+$0x0], $0xffff;
	_ =	sdelay $0x2  }
0x187: {  	v36 =	vld.idx.msk [tilespmem:v36+s2+$0x0], $0xffff;
	v35 =	vmul.u32 $0x14, v35;
	_ =	sdelay $0x1  }
0x188: {  	v35 =	vadd.s32 v19, v35  }
0x189: {  	v35 =	vmul.u32 $0x14, v35;
	_ =	sdelay $0x1  }
0x18a: {  	v35 =	vadd.s32 v36, v35  }
0x18b: {  	v37 =	vor.u32 $0x180, v12;
	_ =	sdelay $0x2  }
0x18c: {  	v33 =	vmul.u32 $0x14, v33  }
0x18d: {  	[tilespmem:v35+s18+$0x0] =	vst.idx.add.f32.msk $0xffff, v2  }
0x18e: {  	v33 =	vadd.s32 v29, v33;
	v19 =	vmul.u32 $0x14, v19;
	v35 =	vld.idx.msk [tilespmem:v37+s2+$0x0], $0xffff  }
0x18f: {  	v33 =	vmul.u32 $0x14, v33  }
0x190: {  	v19 =	vadd.s32 v36, v19  }
0x191: {  	v33 =	vadd.s32 v32, v33;
	v19 =	vmul.u32 $0x14, v19  }
0x192: {  	v52 =	vor.u32 $0x200, v11  }
0x193: {  	v19 =	vadd.s32 v35, v19  }
0x194: {  	v38 =	vor.u32 $0x200, v12;
	_ =	sdelay $0x1  }
0x195: {  	[tilespmem:v33+s18+$0x0] =	vst.idx.add.f32.msk $0xffff, v2  }
0x196: {  	v53 =	vmul.u32 $0x14, v29;
	v33 =	vld.idx.msk [tilespmem:v52+s2+$0x0], $0xffff  }
0x197: {  	[tilespmem:v19+s18+$0x0] =	vst.idx.add.f32.msk $0xffff, v2  }
0x198: {  	v54 =	vadd.s32 v53, v32;
	v36 =	vmul.u32 $0x14, v36;
	v55 =	vld.idx.msk [tilespmem:v38+s2+$0x0], $0xffff  }
0x199: {  	v19 =	vmul.u32 $0x14, v54  }
0x19a: {  	v36 =	vadd.s32 v36, v35  }
0x19b: {  	v36 =	vmul.u32 $0x14, v36;
	v19 =	vadd.s32 v33, v19  }
0x19c: {  	v56 =	vor.u32 $0x280, v11  }
0x19d: {  	v36 =	vadd.s32 v55, v36  }
0x19e: {  	v57 =	vor.u32 $0x280, v12;
	_ =	sdelay $0x1  }
0x19f: {  	[tilespmem:v19+s18+$0x0] =	vst.idx.add.f32.msk $0xffff, v2  }
0x1a0: {  	v58 =	vmul.u32 $0x14, v32;
	v19 =	vld.idx.msk [tilespmem:v56+s2+$0x0], $0xffff  }
0x1a1: {  	[tilespmem:v36+s18+$0x0] =	vst.idx.add.f32.msk $0xffff, v2  }
0x1a2: {  	v32 =	vadd.s32 v58, v33;
	v35 =	vmul.u32 $0x14, v35;
	v36 =	vld.idx.msk [tilespmem:v57+s2+$0x0], $0xffff  }
0x1a3: {  	v32 =	vmul.u32 $0x14, v32  }
0x1a4: {  	v35 =	vadd.s32 v35, v55  }
0x1a5: {  	v13 =	vor.u32 v13, v14;
	v59 =	vmul.u32 $0x14, v35;
	v32 =	vadd.s32 v19, v32  }
0x1a6: {  	v60 =	vor.u32 $0x300, v13  }
0x1a7: {  	v14 =	vadd.s32 v36, v59  }
0x1a8: {  	v61 =	vor.u32 $0x300, v12;
	_ =	sdelay $0x1  }
0x1a9: {  	[tilespmem:v32+s18+$0x0] =	vst.idx.add.f32.msk $0xffff, v2  }
0x1aa: {  	v33 =	vmul.u32 $0x14, v33;
	v32 =	vld.idx.msk [tilespmem:v60+s2+$0x0], $0xffff  }
0x1ab: {  	[tilespmem:v14+s18+$0x0] =	vst.idx.add.f32.msk $0xffff, v2  }
0x1ac: {  	v29 =	vmul.u32 $0x14, v55;
	v62 =	vadd.s32 v33, v19;
	v63 =	vld.idx.msk [tilespmem:v61+s2+$0x0], $0xffff  }
0x1ad: {  	v14 =	vmul.u32 $0x14, v62  }
0x1ae: {  	v29 =	vadd.s32 v29, v36  }
0x1af: {  	v40 =	vmul.u32 $0x14, v29;
	v35 =	vadd.s32 v32, v14  }
0x1b0: {  	v41 =	vor.u32 $0x380, v13  }
0x1b1: {  	v14 =	vor.u32 v22, v23;
	v37 =	vadd.s32 v63, v40  }
0x1b2: {  	v22 =	vor.u32 $0x380, v14;
	_ =	sdelay $0x1  }
0x1b3: {  	[tilespmem:v35+s18+$0x0] =	vst.idx.add.f32.msk $0xffff, v2  }
0x1b4: {  	v19 =	vmul.u32 $0x14, v19;
	v42 =	vld.idx.msk [tilespmem:v41+s2+$0x0], $0xffff  }
0x1b5: {  	[tilespmem:v37+s18+$0x0] =	vst.idx.add.f32.msk $0xffff, v2  }
0x1b6: {  	v43 =	vmul.u32 $0x14, v36;
	v19 =	vadd.s32 v19, v32;
	v22 =	vld.idx.msk [tilespmem:v22+s2+$0x0], $0xffff  }
0x1b7: {  	v19 =	vmul.u32 $0x14, v19  }
0x1b8: {  	v29 =	vadd.s32 v43, v63  }
0x1b9: {  	v29 =	vmul.u32 $0x14, v29;
	v19 =	vadd.s32 v42, v19  }
0x1ba: {  	v44 =	vor.u32 $0x4000, v11  }
0x1bb: {  	v29 =	vadd.s32 v22, v29  }
0x1bc: {  	v45 =	vor.u32 $0x4000, v12;
	_ =	sdelay $0x1  }
0x1bd: {  	[tilespmem:v19+s18+$0x0] =	vst.idx.add.f32.msk $0xffff, v2  }
0x1be: {  	v32 =	vmul.u32 $0x14, v32;
	v19 =	vld.idx.msk [tilespmem:v44+s2+$0x0], $0xffff  }
0x1bf: {  	[tilespmem:v29+s18+$0x0] =	vst.idx.add.f32.msk $0xffff, v2  }
0x1c0: {  	v33 =	vmul.u32 $0x14, v63;
	v46 =	vadd.s32 v32, v42;
	v47 =	vld.idx.msk [tilespmem:v45+s2+$0x0], $0xffff  }
0x1c1: {  	v29 =	vmul.u32 $0x14, v46  }
0x1c2: {  	v33 =	vadd.s32 v33, v22  }
0x1c3: {  	v33 =	vmul.u32 $0x14, v33;
	v29 =	vadd.s32 v19, v29  }
0x1c4: {  	v48 =	vor.u32 $0x4080, v11  }
0x1c5: {  	v33 =	vadd.s32 v47, v33  }
0x1c6: {  	v49 =	vor.u32 $0x4080, v12;
	_ =	sdelay $0x1  }
0x1c7: {  	[tilespmem:v29+s18+$0x0] =	vst.idx.add.f32.msk $0xffff, v2  }
0x1c8: {  	v23 =	vmul.u32 $0x14, v42;
	v29 =	vld.idx.msk [tilespmem:v48+s2+$0x0], $0xffff  }
0x1c9: {  	[tilespmem:v33+s18+$0x0] =	vst.idx.add.f32.msk $0xffff, v2  }
0x1ca: {  	v22 =	vmul.u32 $0x14, v22;
	v23 =	vadd.s32 v23, v19;
	v33 =	vld.idx.msk [tilespmem:v49+s2+$0x0], $0xffff  }
0x1cb: {  	v23 =	vmul.u32 $0x14, v23  }
0x1cc: {  	v22 =	vadd.s32 v22, v47  }
0x1cd: {  	v22 =	vmul.u32 $0x14, v22;
	v23 =	vadd.s32 v29, v23  }
0x1ce: {  	v50 =	vor.u32 $0x4100, v11  }
0x1cf: {  	v22 =	vadd.s32 v33, v22  }
0x1d0: {  	v51 =	vor.u32 $0x4100, v12;
	_ =	sdelay $0x1  }
0x1d1: {  	[tilespmem:v23+s18+$0x0] =	vst.idx.add.f32.msk $0xffff, v2  }
0x1d2: {  	v19 =	vmul.u32 $0x14, v19;
	v23 =	vld.idx.msk [tilespmem:v50+s2+$0x0], $0xffff  }
0x1d3: {  	[tilespmem:v22+s18+$0x0] =	vst.idx.add.f32.msk $0xffff, v2  }
0x1d4: {  	v32 =	vmul.u32 $0x14, v47;
	v19 =	vadd.s32 v19, v29;
	v22 =	vld.idx.msk [tilespmem:v51+s2+$0x0], $0xffff  }
0x1d5: {  	v19 =	vmul.u32 $0x14, v19  }
0x1d6: {  	v32 =	vadd.s32 v32, v33  }
0x1d7: {  	v32 =	vmul.u32 $0x14, v32;
	v19 =	vadd.s32 v23, v19  }
0x1d8: {  	v52 =	vor.u32 $0x4180, v11  }
0x1d9: {  	v32 =	vadd.s32 v22, v32  }
0x1da: {  	v53 =	vor.u32 $0x4180, v12;
	_ =	sdelay $0x1  }
0x1db: {  	[tilespmem:v19+s18+$0x0] =	vst.idx.add.f32.msk $0xffff, v2  }
0x1dc: {  	v29 =	vmul.u32 $0x14, v29;
	v19 =	vld.idx.msk [tilespmem:v52+s2+$0x0], $0xffff  }
0x1dd: {  	[tilespmem:v32+s18+$0x0] =	vst.idx.add.f32.msk $0xffff, v2  }
0x1de: {  	v33 =	vmul.u32 $0x14, v33;
	v29 =	vadd.s32 v29, v23;
	v32 =	vld.idx.msk [tilespmem:v53+s2+$0x0], $0xffff  }
0x1df: {  	v34 =	vadd.s32 v28, v34;
	v29 =	vmul.u32 $0x14, v29  }
0x1e0: {  	v54 =	vor.u32 $0x4200, v7;
	v33 =	vadd.s32 v33, v22  }
0x1e1: {  	v33 =	vmul.u32 $0x14, v33;
	v29 =	vadd.s32 v19, v29  }
0x1e2: {  	v55 =	vor.u32 $0x4200, v11  }
0x1e3: {  	v33 =	vadd.s32 v32, v33  }
0x1e4: {  	[tilespmem:v34+s18+$0x0] =	vst.idx.add.f32.msk $0xffff, v2;
	v56 =	vor.u32 $0x4200, v12  }
0x1e5: {  	v27 =	vmul.u32 $0x14, v27;
	v35 =	vld.idx.msk [tilespmem:v54+s2+$0x0], $0xffff  }
0x1e6: {  	[tilespmem:v29+s18+$0x0] =	vst.idx.add.f32.msk $0xffff, v2  }
0x1e7: {  	v27 =	vadd.s32 v27, v28;
	v23 =	vmul.u32 $0x14, v23;
	v29 =	vld.idx.msk [tilespmem:v55+s2+$0x0], $0xffff  }
0x1e8: {  	v27 =	vmul.u32 $0x14, v27;
	[tilespmem:v33+s18+$0x0] =	vst.idx.add.f32.msk $0xffff, v2  }
0x1e9: {  	v22 =	vmul.u32 $0x14, v22;
	v23 =	vadd.s32 v23, v19;
	v33 =	vld.idx.msk [tilespmem:v56+s2+$0x0], $0xffff  }
0x1ea: {  	v27 =	vadd.s32 v35, v27;
	v23 =	vmul.u32 $0x14, v23  }
0x1eb: {  	v57 =	vor.u32 $0x4280, v7;
	v22 =	vadd.s32 v22, v32  }
0x1ec: {  	[tilespmem:v31+s18+$0x0] =	vst.idx.add.f32.msk $0xffff, v2;
	v22 =	vmul.u32 $0x14, v22;
	v23 =	vadd.s32 v29, v23  }
0x1ed: {  	v21 =	vmul.u32 $0x14, v21;
	v30 =	vld.idx.msk [tilespmem:v30+s2+$0x0], $0xffff;
	v58 =	vor.u32 $0x4280, v11  }
0x1ee: {  	v22 =	vadd.s32 v33, v22  }
0x1ef: {  	v21 =	vadd.s32 v21, v24;
	v59 =	vor.u32 $0x4280, v12;
	[tilespmem:v27+s18+$0x0] =	vst.idx.add.f32.msk $0xffff, v2  }
0x1f0: {  	v21 =	vmul.u32 $0x14, v21;
	v60 =	vmul.u32 $0x14, v28;
	v34 =	vld.idx.msk [tilespmem:v57+s2+$0x0], $0xffff  }
0x1f1: {  	[tilespmem:v23+s18+$0x0] =	vst.idx.add.f32.msk $0xffff, v2  }
0x1f2: {  	v21 =	vadd.s32 v30, v21;
	v61 =	vadd.s32 v60, v35;
	v19 =	vmul.u32 $0x14, v19;
	v62 =	vld.idx.msk [tilespmem:v58+s2+$0x0], $0xffff  }
0x1f3: {  	v63 =	vor.u32 $0x4300, v9;
	v23 =	vmul.u32 $0x14, v61;
	[tilespmem:v22+s18+$0x0] =	vst.idx.add.f32.msk $0xffff, v2  }
0x1f4: {  	v36 =	vmul.u32 $0x14, v32;
	v19 =	vadd.s32 v19, v29;
	v27 =	vld.idx.msk [tilespmem:v59+s2+$0x0], $0xffff  }
0x1f5: {  	v19 =	vmul.u32 $0x14, v19;
	v23 =	vadd.s32 v34, v23  }
0x1f6: {  	v37 =	vor.u32 $0x4300, v7;
	v31 =	vadd.s32 v36, v33  }
0x1f7: {  	[tilespmem:v21+s18+$0x0] =	vst.idx.add.f32.msk $0xffff, v2;
	v31 =	vmul.u32 $0x14, v31;
	v19 =	vadd.s32 v62, v19  }
0x1f8: {  	v39 =	vmul.u32 $0x14, v24;
	v38 =	vor.u32 $0x4300, v13;
	v22 =	vld.idx.msk [tilespmem:v63+s2+$0x0], $0xffff  }
0x1f9: {  	v31 =	vadd.s32 v27, v31  }
0x1fa: {  	v24 =	vadd.s32 v39, v30;
	v40 =	vor.u32 $0x4300, v12;
	[tilespmem:v23+s18+$0x0] =	vst.idx.add.f32.msk $0xffff, v2  }
0x1fb: {  	v24 =	vmul.u32 $0x14, v24;
	v35 =	vmul.u32 $0x14, v35;
	v32 =	vld.idx.msk [tilespmem:v37+s2+$0x0], $0xffff  }
0x1fc: {  	[tilespmem:v19+s18+$0x0] =	vst.idx.add.f32.msk $0xffff, v2  }
0x1fd: {  	v41 =	vadd.s32 v35, v34;
	v29 =	vmul.u32 $0x14, v29;
	v24 =	vadd.s32 v22, v24;
	v21 =	vld.idx.msk [tilespmem:v38+s2+$0x0], $0xffff  }
0x1fe: {  	v42 =	vor.u32 $0x4380, v9;
	v19 =	vmul.u32 $0x14, v41;
	[tilespmem:v31+s18+$0x0] =	vst.idx.add.f32.msk $0xffff, v2  }
0x1ff: {  	v33 =	vmul.u32 $0x14, v33;
	v29 =	vadd.s32 v29, v62;
	v23 =	vld.idx.msk [tilespmem:v40+s2+$0x0], $0xffff  }
0x200: {  	v29 =	vmul.u32 $0x14, v29;
	v19 =	vadd.s32 v32, v19  }
0x201: {  	v43 =	vor.u32 $0x4380, v10;
	v33 =	vadd.s32 v33, v27  }
0x202: {  	v33 =	vmul.u32 $0x14, v33;
	[tilespmem:v24+s18+$0x0] =	vst.idx.add.f32.msk $0xffff, v2;
	v29 =	vadd.s32 v21, v29  }
0x203: {  	v30 =	vmul.u32 $0x14, v30;
	v44 =	vor.u32 $0x4380, v13;
	v31 =	vld.idx.msk [tilespmem:v42+s2+$0x0], $0xffff  }
0x204: {  	v33 =	vadd.s32 v23, v33  }
0x205: {  	v45 =	vor.u32 $0x4380, v14;
	v30 =	vadd.s32 v30, v22;
	[tilespmem:v19+s18+$0x0] =	vst.idx.add.f32.msk $0xffff, v2  }
0x206: {  	v34 =	vmul.u32 $0x14, v34;
	v30 =	vmul.u32 $0x14, v30;
	v35 =	vld.idx.msk [tilespmem:v43+s2+$0x0], $0xffff  }
0x207: {  	[tilespmem:v29+s18+$0x0] =	vst.idx.add.f32.msk $0xffff, v2  }
0x208: {  	v28 =	vmul.u32 $0x14, v62;
	v46 =	vadd.s32 v34, v32;
	v30 =	vadd.s32 v31, v30;
	v24 =	vld.idx.msk [tilespmem:v44+s2+$0x0], $0xffff  }
0x209: {  	v47 =	vor.u32 $0x8000, v8;
	v29 =	vmul.u32 $0x14, v46;
	[tilespmem:v33+s18+$0x0] =	vst.idx.add.f32.msk $0xffff, v2  }
0x20a: {  	v27 =	vmul.u32 $0x14, v27;
	v28 =	vadd.s32 v28, v21;
	v19 =	vld.idx.msk [tilespmem:v45+s2+$0x0], $0xffff  }
0x20b: {  	v28 =	vmul.u32 $0x14, v28;
	v29 =	vadd.s32 v35, v29  }
0x20c: {  	v48 =	vor.u32 $0x8000, v7;
	v27 =	vadd.s32 v27, v23  }
0x20d: {  	v27 =	vmul.u32 $0x14, v27;
	[tilespmem:v30+s18+$0x0] =	vst.idx.add.f32.msk $0xffff, v2;
	v28 =	vadd.s32 v24, v28  }
0x20e: {  	v49 =	vor.u32 $0x8000, v11;
	v22 =	vmul.u32 $0x14, v22;
	v33 =	vld.idx.msk [tilespmem:v47+s2+$0x0], $0xffff  }
0x20f: {  	v27 =	vadd.s32 v19, v27  }
0x210: {  	v50 =	vor.u32 $0x8000, v12;
	v22 =	vadd.s32 v22, v31;
	[tilespmem:v29+s18+$0x0] =	vst.idx.add.f32.msk $0xffff, v2  }
0x211: {  	v32 =	vmul.u32 $0x14, v32;
	v22 =	vmul.u32 $0x14, v22;
	v34 =	vld.idx.msk [tilespmem:v48+s2+$0x0], $0xffff  }
0x212: {  	[tilespmem:v28+s18+$0x0] =	vst.idx.add.f32.msk $0xffff, v2  }
0x213: {  	v21 =	vmul.u32 $0x14, v21;
	v51 =	vadd.s32 v32, v35;
	v22 =	vadd.s32 v33, v22;
	v30 =	vld.idx.msk [tilespmem:v49+s2+$0x0], $0xffff  }
0x214: {  	v52 =	vor.u32 $0x8080, v8;
	v28 =	vmul.u32 $0x14, v51;
	[tilespmem:v27+s18+$0x0] =	vst.idx.add.f32.msk $0xffff, v2  }
0x215: {  	v23 =	vmul.u32 $0x14, v23;
	v21 =	vadd.s32 v21, v24;
	v29 =	vld.idx.msk [tilespmem:v50+s2+$0x0], $0xffff  }
0x216: {  	v21 =	vmul.u32 $0x14, v21;
	v28 =	vadd.s32 v34, v28  }
0x217: {  	v53 =	vor.u32 $0x8080, v7;
	v23 =	vadd.s32 v23, v19  }
0x218: {  	v23 =	vmul.u32 $0x14, v23;
	[tilespmem:v22+s18+$0x0] =	vst.idx.add.f32.msk $0xffff, v2;
	v21 =	vadd.s32 v30, v21  }
0x219: {  	v54 =	vor.u32 $0x8080, v11;
	v31 =	vmul.u32 $0x14, v31;
	v27 =	vld.idx.msk [tilespmem:v52+s2+$0x0], $0xffff  }
0x21a: {  	v23 =	vadd.s32 v29, v23  }
0x21b: {  	v55 =	vor.u32 $0x8080, v12;
	v31 =	vadd.s32 v31, v33;
	[tilespmem:v28+s18+$0x0] =	vst.idx.add.f32.msk $0xffff, v2  }
0x21c: {  	v35 =	vmul.u32 $0x14, v35;
	v31 =	vmul.u32 $0x14, v31;
	v32 =	vld.idx.msk [tilespmem:v53+s2+$0x0], $0xffff  }
0x21d: {  	[tilespmem:v21+s18+$0x0] =	vst.idx.add.f32.msk $0xffff, v2  }
0x21e: {  	v24 =	vmul.u32 $0x14, v24;
	v56 =	vadd.s32 v35, v34;
	v31 =	vadd.s32 v27, v31;
	v22 =	vld.idx.msk [tilespmem:v54+s2+$0x0], $0xffff  }
0x21f: {  	v57 =	vor.u32 $0x8100, v8;
	v21 =	vmul.u32 $0x14, v56;
	[tilespmem:v23+s18+$0x0] =	vst.idx.add.f32.msk $0xffff, v2  }
0x220: {  	v19 =	vmul.u32 $0x14, v19;
	v24 =	vadd.s32 v24, v30;
	v28 =	vld.idx.msk [tilespmem:v55+s2+$0x0], $0xffff  }
0x221: {  	v24 =	vmul.u32 $0x14, v24;
	v21 =	vadd.s32 v32, v21  }
0x222: {  	v58 =	vor.u32 $0x8100, v7;
	v19 =	vadd.s32 v19, v29  }
0x223: {  	v19 =	vmul.u32 $0x14, v19;
	[tilespmem:v31+s18+$0x0] =	vst.idx.add.f32.msk $0xffff, v2;
	v24 =	vadd.s32 v22, v24  }
0x224: {  	v59 =	vor.u32 $0x8100, v11;
	v33 =	vmul.u32 $0x14, v33;
	v23 =	vld.idx.msk [tilespmem:v57+s2+$0x0], $0xffff  }
0x225: {  	v19 =	vadd.s32 v28, v19  }
0x226: {  	v60 =	vor.u32 $0x8100, v12;
	v33 =	vadd.s32 v33, v27;
	[tilespmem:v21+s18+$0x0] =	vst.idx.add.f32.msk $0xffff, v2  }
0x227: {  	v34 =	vmul.u32 $0x14, v34;
	v33 =	vmul.u32 $0x14, v33;
	v35 =	vld.idx.msk [tilespmem:v58+s2+$0x0], $0xffff  }
0x228: {  	[tilespmem:v24+s18+$0x0] =	vst.idx.add.f32.msk $0xffff, v2  }
0x229: {  	v30 =	vmul.u32 $0x14, v30;
	v61 =	vadd.s32 v34, v32;
	v33 =	vadd.s32 v23, v33;
	v31 =	vld.idx.msk [tilespmem:v59+s2+$0x0], $0xffff  }
0x22a: {  	v62 =	vor.u32 $0x8180, v8;
	v24 =	vmul.u32 $0x14, v61;
	[tilespmem:v19+s18+$0x0] =	vst.idx.add.f32.msk $0xffff, v2  }
0x22b: {  	v29 =	vmul.u32 $0x14, v29;
	v30 =	vadd.s32 v30, v22;
	v21 =	vld.idx.msk [tilespmem:v60+s2+$0x0], $0xffff  }
0x22c: {  	[tilespmem:v25+s18+$0x0] =	vst.idx.add.f32.msk $0xffff, v2;
	v30 =	vmul.u32 $0x14, v30;
	v24 =	vadd.s32 v35, v24  }
0x22d: {  	v18 =	vmul.u32 $0x14, v18;
	v26 =	vld.idx.msk [tilespmem:v26+s2+$0x0], $0xffff;
	v63 =	vor.u32 $0x8180, v7;
	v29 =	vadd.s32 v29, v28  }
0x22e: {  	v29 =	vmul.u32 $0x14, v29;
	[tilespmem:v33+s18+$0x0] =	vst.idx.add.f32.msk $0xffff, v2;
	v30 =	vadd.s32 v31, v30  }
0x22f: {  	v18 =	vadd.s32 v18, v17;
	v36 =	vor.u32 $0x8180, v11;
	v27 =	vmul.u32 $0x14, v27;
	v19 =	vld.idx.msk [tilespmem:v62+s2+$0x0], $0xffff  }
0x230: {  	[tilespmem:v20+s18+$0x0] =	vst.idx.add.f32.msk $0xffff, v2;
	v18 =	vmul.u32 $0x14, v18;
	v29 =	vadd.s32 v21, v29  }
0x231: {  	v37 =	vor.u32 $0x8180, v12;
	v27 =	vadd.s32 v27, v23;
	[tilespmem:v24+s18+$0x0] =	vst.idx.add.f32.msk $0xffff, v2  }
0x232: {  	v18 =	vadd.s32 v26, v18;
	v32 =	vmul.u32 $0x14, v32;
	v27 =	vmul.u32 $0x14, v27;
	v25 =	vld.idx.msk [tilespmem:v63+s2+$0x0], $0xffff  }
0x233: {  	v38 =	vor.u32 $0x8380, v4;
	[tilespmem:v30+s18+$0x0] =	vst.idx.add.f32.msk $0xffff, v2  }
0x234: {  	v22 =	vmul.u32 $0x14, v22;
	v39 =	vadd.s32 v32, v35;
	v27 =	vadd.s32 v19, v27;
	v40 =	vld.idx.msk [tilespmem:v36+s2+$0x0], $0xffff  }
0x235: {  	v41 =	vor.u32 $0x8200, v8;
	v30 =	vmul.u32 $0x14, v39;
	[tilespmem:v29+s18+$0x0] =	vst.idx.add.f32.msk $0xffff, v2  }
0x236: {  	v49 =	vor.u32 $0x8380, v5;
	v28 =	vmul.u32 $0x14, v28;
	v22 =	vadd.s32 v22, v31;
	v24 =	vld.idx.msk [tilespmem:v37+s2+$0x0], $0xffff  }
0x237: {  	v15 =	vmul.u32 $0x14, v15;
	[tilespmem:v18+s18+$0x0] =	vst.idx.add.f32.msk $0xffff, v2;
	v22 =	vmul.u32 $0x14, v22;
	v42 =	vadd.s32 v25, v30  }
0x238: {  	v43 =	vor.u32 $0x8200, v7;
	v28 =	vadd.s32 v28, v21;
	v30 =	vld.idx.msk [tilespmem:v38+s2+$0x0], $0xffff  }
0x239: {  	v15 =	vadd.s32 v15, v16;
	v45 =	vmul.u32 $0x14, v28;
	[tilespmem:v27+s18+$0x0] =	vst.idx.add.f32.msk $0xffff, v2;
	v44 =	vadd.s32 v40, v22  }
0x23a: {  	v46 =	vor.u32 $0x8200, v11;
	v53 =	vmul.u32 $0x14, v17;
	v23 =	vmul.u32 $0x14, v23;
	v47 =	vld.idx.msk [tilespmem:v41+s2+$0x0], $0xffff  }
0x23b: {  	v15 =	vmul.u32 $0x14, v15;
	v29 =	vld.idx.msk [tilespmem:v49+s2+$0x0], $0xffff;
	v22 =	vadd.s32 v24, v45  }
0x23c: {  	v48 =	vor.u32 $0x8200, v12;
	v17 =	vadd.s32 v53, v26;
	v23 =	vadd.s32 v23, v19;
	[tilespmem:v42+s18+$0x0] =	vst.idx.add.f32.msk $0xffff, v2  }
0x23d: {  	v50 =	vmul.u32 $0x14, v35;
	v23 =	vmul.u32 $0x14, v23;
	v15 =	vadd.s32 v30, v15;
	v33 =	vld.idx.msk [tilespmem:v43+s2+$0x0], $0xffff  }
0x23e: {  	v51 =	vor.u32 $0xC000, v6;
	v17 =	vmul.u32 $0x14, v17;
	[tilespmem:v44+s18+$0x0] =	vst.idx.add.f32.msk $0xffff, v2  }
0x23f: {  	v31 =	vmul.u32 $0x14, v31;
	v34 =	vadd.s32 v50, v25;
	v23 =	vadd.s32 v47, v23;
	v27 =	vld.idx.msk [tilespmem:v46+s2+$0x0], $0xffff  }
0x240: {  	v34 =	vmul.u32 $0x14, v34;
	v17 =	vadd.s32 v29, v17;
	[tilespmem:v22+s18+$0x0] =	vst.idx.add.f32.msk $0xffff, v2  }
0x241: {  	v52 =	vor.u32 $0x8280, v8;
	v21 =	vmul.u32 $0x14, v21;
	v31 =	vadd.s32 v31, v40;
	v20 =	vld.idx.msk [tilespmem:v48+s2+$0x0], $0xffff  }
0x242: {  	v31 =	vmul.u32 $0x14, v31;
	[tilespmem:v15+s18+$0x0] =	vst.idx.add.f32.msk $0xffff, v2;
	v34 =	vadd.s32 v33, v34  }
0x243: {  	v54 =	vor.u32 $0x8280, v7;
	v21 =	vadd.s32 v21, v24;
	v18 =	vld.idx.msk [tilespmem:v51+s2+$0x0], $0xffff  }
0x244: {  	v55 =	vmul.u32 $0x14, v16;
	v21 =	vmul.u32 $0x14, v21;
	[tilespmem:v23+s18+$0x0] =	vst.idx.add.f32.msk $0xffff, v2;
	v31 =	vadd.s32 v27, v31  }
0x245: {  	v56 =	vor.u32 $0x8280, v11;
	[tilespmem:v17+s18+$0x0] =	vst.idx.add.f32.msk $0xffff, v2  }
0x246: {  	v19 =	vmul.u32 $0x14, v19;
	v16 =	vadd.s32 v55, v30;
	v22 =	vld.idx.msk [tilespmem:v52+s2+$0x0], $0xffff;
	v21 =	vadd.s32 v20, v21  }
0x247: {  	v57 =	vor.u32 $0x8280, v12;
	v16 =	vmul.u32 $0x14, v16;
	[tilespmem:v34+s18+$0x0] =	vst.idx.add.f32.msk $0xffff, v2  }
0x248: {  	v58 =	vor.u32 $0xC000, v3;
	v25 =	vmul.u32 $0x14, v25;
	v19 =	vadd.s32 v19, v47;
	v15 =	vld.idx.msk [tilespmem:v54+s2+$0x0], $0xffff  }
0x249: {  	v19 =	vmul.u32 $0x14, v19;
	v16 =	vadd.s32 v18, v16;
	[tilespmem:v31+s18+$0x0] =	vst.idx.add.f32.msk $0xffff, v2  }
0x24a: {  	v59 =	vmul.u32 $0x14, v40;
	v43 =	vor.u32 $0xC080, v6;
	v25 =	vadd.s32 v25, v33;
	v23 =	vld.idx.msk [tilespmem:v56+s2+$0x0], $0xffff  }
0x24b: {  	v25 =	vmul.u32 $0x14, v25;
	v19 =	vadd.s32 v22, v19;
	[tilespmem:v21+s18+$0x0] =	vst.idx.add.f32.msk $0xffff, v2  }
0x24c: {  	v60 =	vor.u32 $0x8300, v9;
	v24 =	vmul.u32 $0x14, v24;
	v31 =	vadd.s32 v59, v27;
	v61 =	vld.idx.msk [tilespmem:v57+s2+$0x0], $0xffff  }
0x24d: {  	v36 =	vld.idx.msk [tilespmem:v58+s2+$0x0], $0xffff;
	v63 =	vmul.u32 $0x14, v31;
	v62 =	vadd.s32 v15, v25  }
0x24e: {  	v26 =	vmul.u32 $0x14, v26;
	v37 =	vor.u32 $0x8300, v7;
	v24 =	vadd.s32 v24, v20;
	[tilespmem:v16+s18+$0x0] =	vst.idx.add.f32.msk $0xffff, v2  }
0x24f: {  	v24 =	vmul.u32 $0x14, v24;
	v28 =	vld.idx.msk [tilespmem:v43+s2+$0x0], $0xffff;
	v38 =	vadd.s32 v23, v63  }
0x250: {  	v39 =	vor.u32 $0x8300, v13;
	v30 =	vmul.u32 $0x14, v30;
	v40 =	vadd.s32 v26, v29;
	[tilespmem:v19+s18+$0x0] =	vst.idx.add.f32.msk $0xffff, v2  }
0x251: {  	v41 =	vmul.u32 $0x14, v47;
	v25 =	vmul.u32 $0x14, v40;
	v21 =	vld.idx.msk [tilespmem:v60+s2+$0x0], $0xffff;
	v24 =	vadd.s32 v61, v24  }
0x252: {  	v42 =	vor.u32 $0x8300, v12;
	v33 =	vmul.u32 $0x14, v33;
	v30 =	vadd.s32 v30, v18;
	[tilespmem:v62+s18+$0x0] =	vst.idx.add.f32.msk $0xffff, v2  }
0x253: {  	v30 =	vmul.u32 $0x14, v30;
	v26 =	vadd.s32 v41, v22;
	v25 =	vadd.s32 v36, v25;
	v34 =	vld.idx.msk [tilespmem:v37+s2+$0x0], $0xffff  }
0x254: {  	v44 =	vor.u32 $0xC080, v3;
	v26 =	vmul.u32 $0x14, v26;
	[tilespmem:v38+s18+$0x0] =	vst.idx.add.f32.msk $0xffff, v2  }
0x255: {  	v27 =	vmul.u32 $0x14, v27;
	v33 =	vadd.s32 v33, v15;
	v30 =	vadd.s32 v28, v30;
	v19 =	vld.idx.msk [tilespmem:v39+s2+$0x0], $0xffff  }
0x256: {  	v33 =	vmul.u32 $0x14, v33;
	v26 =	vadd.s32 v21, v26;
	[tilespmem:v24+s18+$0x0] =	vst.idx.add.f32.msk $0xffff, v2  }
0x257: {  	v45 =	vor.u32 $0x8380, v9;
	v20 =	vmul.u32 $0x14, v20;
	v27 =	vadd.s32 v27, v23;
	v17 =	vld.idx.msk [tilespmem:v42+s2+$0x0], $0xffff  }
0x258: {  	v27 =	vmul.u32 $0x14, v27;
	[tilespmem:v25+s18+$0x0] =	vst.idx.add.f32.msk $0xffff, v2;
	v33 =	vadd.s32 v34, v33  }
0x259: {  	v46 =	vor.u32 $0x8380, v10;
	v20 =	vadd.s32 v20, v61;
	v16 =	vld.idx.msk [tilespmem:v44+s2+$0x0], $0xffff  }
0x25a: {  	v29 =	vmul.u32 $0x14, v29;
	v20 =	vmul.u32 $0x14, v20;
	[tilespmem:v30+s18+$0x0] =	vst.idx.add.f32.msk $0xffff, v2;
	v27 =	vadd.s32 v19, v27  }
0x25b: {  	v47 =	vor.u32 $0x8380, v13;
	[tilespmem:v26+s18+$0x0] =	vst.idx.add.f32.msk $0xffff, v2  }
0x25c: {  	v22 =	vmul.u32 $0x14, v22;
	v29 =	vadd.s32 v29, v36;
	v24 =	vld.idx.msk [tilespmem:v45+s2+$0x0], $0xffff;
	v20 =	vadd.s32 v17, v20  }
0x25d: {  	v48 =	vor.u32 $0x8380, v14;
	v29 =	vmul.u32 $0x14, v29;
	[tilespmem:v33+s18+$0x0] =	vst.idx.add.f32.msk $0xffff, v2  }
0x25e: {  	v49 =	vor.u32 $0xC100, v6;
	v15 =	vmul.u32 $0x14, v15;
	v22 =	vadd.s32 v22, v21;
	v25 =	vld.idx.msk [tilespmem:v46+s2+$0x0], $0xffff  }
0x25f: {  	v22 =	vmul.u32 $0x14, v22;
	v50 =	vadd.s32 v16, v29;
	[tilespmem:v27+s18+$0x0] =	vst.idx.add.f32.msk $0xffff, v2  }
0x260: {  	v57 =	vor.u32 $0xC100, v3;
	v23 =	vmul.u32 $0x14, v23;
	v15 =	vadd.s32 v15, v34;
	v26 =	vld.idx.msk [tilespmem:v47+s2+$0x0], $0xffff  }
0x261: {  	v15 =	vmul.u32 $0x14, v15;
	v22 =	vadd.s32 v24, v22;
	[tilespmem:v20+s18+$0x0] =	vst.idx.add.f32.msk $0xffff, v2  }
0x262: {  	v51 =	vor.u32 $0xC000, v8;
	v32 =	vmul.u32 $0x14, v61;
	v23 =	vadd.s32 v23, v19;
	v52 =	vld.idx.msk [tilespmem:v48+s2+$0x0], $0xffff  }
0x263: {  	v18 =	vmul.u32 $0x14, v18;
	v30 =	vld.idx.msk [tilespmem:v49+s2+$0x0], $0xffff;
	v23 =	vmul.u32 $0x14, v23;
	v15 =	vadd.s32 v25, v15  }
0x264: {  	v53 =	vor.u32 $0xC000, v7;
	v31 =	vmul.u32 $0x14, v36;
	[tilespmem:v50+s18+$0x0] =	vst.idx.add.f32.msk $0xffff, v2;
	v32 =	vadd.s32 v32, v17  }
0x265: {  	v18 =	vadd.s32 v18, v28;
	v54 =	vmul.u32 $0x14, v32;
	v32 =	vld.idx.msk [tilespmem:v57+s2+$0x0], $0xffff;
	v23 =	vadd.s32 v26, v23  }
0x266: {  	v55 =	vor.u32 $0xC000, v11;
	v18 =	vmul.u32 $0x14, v18;
	[tilespmem:v22+s18+$0x0] =	vst.idx.add.f32.msk $0xffff, v2  }
0x267: {  	v21 =	vmul.u32 $0x14, v21;
	v31 =	vadd.s32 v31, v16;
	v20 =	vld.idx.msk [tilespmem:v51+s2+$0x0], $0xffff;
	v27 =	vadd.s32 v52, v54  }
0x268: {  	v56 =	vor.u32 $0xC000, v12;
	v31 =	vmul.u32 $0x14, v31;
	[tilespmem:v15+s18+$0x0] =	vst.idx.add.f32.msk $0xffff, v2  }
0x269: {  	v34 =	vmul.u32 $0x14, v34;
	v18 =	vadd.s32 v30, v18;
	v21 =	vadd.s32 v21, v24;
	v33 =	vld.idx.msk [tilespmem:v53+s2+$0x0], $0xffff  }
0x26a: {  	v21 =	vmul.u32 $0x14, v21;
	v31 =	vadd.s32 v32, v31;
	[tilespmem:v23+s18+$0x0] =	vst.idx.add.f32.msk $0xffff, v2  }
0x26b: {  	v58 =	vor.u32 $0xC180, v6;
	v19 =	vmul.u32 $0x14, v19;
	v34 =	vadd.s32 v34, v25;
	v22 =	vld.idx.msk [tilespmem:v55+s2+$0x0], $0xffff  }
0x26c: {  	v34 =	vmul.u32 $0x14, v34;
	v21 =	vadd.s32 v20, v21;
	[tilespmem:v27+s18+$0x0] =	vst.idx.add.f32.msk $0xffff, v2  }
0x26d: {  	v59 =	vor.u32 $0xC080, v8;
	v17 =	vmul.u32 $0x14, v17;
	v19 =	vadd.s32 v19, v26;
	v15 =	vld.idx.msk [tilespmem:v56+s2+$0x0], $0xffff  }
0x26e: {  	[tilespmem:v18+s18+$0x0] =	vst.idx.add.f32.msk $0xffff, v2;
	v19 =	vmul.u32 $0x14, v19;
	v34 =	vadd.s32 v33, v34  }
0x26f: {  	v60 =	vor.u32 $0xC080, v7;
	v17 =	vadd.s32 v17, v52;
	[tilespmem:v31+s18+$0x0] =	vst.idx.add.f32.msk $0xffff, v2  }
0x270: {  	v28 =	vmul.u32 $0x14, v28;
	v23 =	vld.idx.msk [tilespmem:v58+s2+$0x0], $0xffff;
	v17 =	vmul.u32 $0x14, v17;
	v19 =	vadd.s32 v22, v19  }
0x271: {  	v61 =	vor.u32 $0xC080, v11;
	[tilespmem:v21+s18+$0x0] =	vst.idx.add.f32.msk $0xffff, v2  }
0x272: {  	v28 =	vadd.s32 v28, v30;
	v24 =	vmul.u32 $0x14, v24;
	v27 =	vld.idx.msk [tilespmem:v59+s2+$0x0], $0xffff;
	v17 =	vadd.s32 v15, v17  }
0x273: {  	v62 =	vor.u32 $0xC080, v12;
	v28 =	vmul.u32 $0x14, v28;
	[tilespmem:v34+s18+$0x0] =	vst.idx.add.f32.msk $0xffff, v2  }
0x274: {  	v63 =	vor.u32 $0xC180, v3;
	v25 =	vmul.u32 $0x14, v25;
	v24 =	vadd.s32 v24, v20;
	v18 =	vld.idx.msk [tilespmem:v60+s2+$0x0], $0xffff  }
0x275: {  	v24 =	vmul.u32 $0x14, v24;
	v36 =	vadd.s32 v23, v28;
	[tilespmem:v19+s18+$0x0] =	vst.idx.add.f32.msk $0xffff, v2  }
0x276: {  	v44 =	vor.u32 $0xC200, v6;
	v26 =	vmul.u32 $0x14, v26;
	v25 =	vadd.s32 v25, v33;
	v21 =	vld.idx.msk [tilespmem:v61+s2+$0x0], $0xffff  }
0x277: {  	v25 =	vmul.u32 $0x14, v25;
	v24 =	vadd.s32 v27, v24;
	[tilespmem:v17+s18+$0x0] =	vst.idx.add.f32.msk $0xffff, v2  }
0x278: {  	v37 =	vor.u32 $0xC100, v8;
	v29 =	vmul.u32 $0x14, v52;
	v26 =	vadd.s32 v26, v22;
	v38 =	vld.idx.msk [tilespmem:v62+s2+$0x0], $0xffff  }
0x279: {  	v31 =	vld.idx.msk [tilespmem:v63+s2+$0x0], $0xffff;
	v26 =	vmul.u32 $0x14, v26;
	v25 =	vadd.s32 v18, v25  }
0x27a: {  	v39 =	vor.u32 $0xC100, v7;
	v16 =	vmul.u32 $0x14, v16;
	v29 =	vadd.s32 v29, v15;
	[tilespmem:v36+s18+$0x0] =	vst.idx.add.f32.msk $0xffff, v2  }
0x27b: {  	v41 =	vmul.u32 $0x14, v29;
	v29 =	vld.idx.msk [tilespmem:v44+s2+$0x0], $0xffff;
	v40 =	vadd.s32 v21, v26  }
0x27c: {  	v42 =	vor.u32 $0xC100, v11;
	v30 =	vmul.u32 $0x14, v30;
	v16 =	vadd.s32 v16, v32;
	[tilespmem:v24+s18+$0x0] =	vst.idx.add.f32.msk $0xffff, v2  }
0x27d: {  	v16 =	vmul.u32 $0x14, v16;
	v20 =	vmul.u32 $0x14, v20;
	v17 =	vld.idx.msk [tilespmem:v37+s2+$0x0], $0xffff;
	v26 =	vadd.s32 v38, v41  }
0x27e: {  	v43 =	vor.u32 $0xC100, v12;
	v33 =	vmul.u32 $0x14, v33;
	v30 =	vadd.s32 v30, v23;
	[tilespmem:v25+s18+$0x0] =	vst.idx.add.f32.msk $0xffff, v2  }
0x27f: {  	v16 =	vadd.s32 v31, v16;
	v30 =	vmul.u32 $0x14, v30;
	v20 =	vadd.s32 v20, v27;
	v34 =	vld.idx.msk [tilespmem:v39+s2+$0x0], $0xffff  }
0x280: {  	v45 =	vor.u32 $0xC200, v3;
	v20 =	vmul.u32 $0x14, v20;
	[tilespmem:v40+s18+$0x0] =	vst.idx.add.f32.msk $0xffff, v2  }
0x281: {  	v22 =	vmul.u32 $0x14, v22;
	v33 =	vadd.s32 v33, v18;
	v30 =	vadd.s32 v29, v30;
	v24 =	vld.idx.msk [tilespmem:v42+s2+$0x0], $0xffff  }
0x282: {  	v33 =	vmul.u32 $0x14, v33;
	v20 =	vadd.s32 v17, v20;
	[tilespmem:v26+s18+$0x0] =	vst.idx.add.f32.msk $0xffff, v2  }
0x283: {  	v46 =	vor.u32 $0xC180, v8;
	v15 =	vmul.u32 $0x14, v15;
	v22 =	vadd.s32 v22, v21;
	v25 =	vld.idx.msk [tilespmem:v43+s2+$0x0], $0xffff  }
0x284: {  	[tilespmem:v16+s18+$0x0] =	vst.idx.add.f32.msk $0xffff, v2;
	v22 =	vmul.u32 $0x14, v22;
	v33 =	vadd.s32 v34, v33  }
0x285: {  	v47 =	vor.u32 $0xC180, v7;
	v32 =	vmul.u32 $0x14, v32;
	v19 =	vld.idx.msk [tilespmem:v45+s2+$0x0], $0xffff;
	v15 =	vadd.s32 v15, v38  }
0x286: {  	[tilespmem:v30+s18+$0x0] =	vst.idx.add.f32.msk $0xffff, v2;
	v15 =	vmul.u32 $0x14, v15;
	v22 =	vadd.s32 v24, v22  }
0x287: {  	v48 =	vor.u32 $0xC180, v11;
	v32 =	vadd.s32 v32, v31;
	[tilespmem:v20+s18+$0x0] =	vst.idx.add.f32.msk $0xffff, v2  }
0x288: {  	v32 =	vmul.u32 $0x14, v32;
	v27 =	vmul.u32 $0x14, v27;
	v26 =	vld.idx.msk [tilespmem:v46+s2+$0x0], $0xffff;
	v15 =	vadd.s32 v25, v15  }
0x289: {  	v49 =	vor.u32 $0xC180, v12;
	[tilespmem:v33+s18+$0x0] =	vst.idx.add.f32.msk $0xffff, v2  }
0x28a: {  	v18 =	vmul.u32 $0x14, v18;
	v50 =	vadd.s32 v19, v32;
	v27 =	vadd.s32 v27, v17;
	v16 =	vld.idx.msk [tilespmem:v47+s2+$0x0], $0xffff  }
0x28b: {  	v6 =	vor.u32 $0xC280, v6;
	v27 =	vmul.u32 $0x14, v27;
	[tilespmem:v22+s18+$0x0] =	vst.idx.add.f32.msk $0xffff, v2  }
0x28c: {  	v57 =	vor.u32 $0xC280, v3;
	v21 =	vmul.u32 $0x14, v21;
	v18 =	vadd.s32 v18, v34;
	v20 =	vld.idx.msk [tilespmem:v48+s2+$0x0], $0xffff  }
0x28d: {  	v18 =	vmul.u32 $0x14, v18;
	v27 =	vadd.s32 v26, v27;
	[tilespmem:v15+s18+$0x0] =	vst.idx.add.f32.msk $0xffff, v2  }
0x28e: {  	v51 =	vor.u32 $0xC200, v8;
	v28 =	vmul.u32 $0x14, v38;
	v21 =	vadd.s32 v21, v24;
	v52 =	vld.idx.msk [tilespmem:v49+s2+$0x0], $0xffff  }
0x28f: {  	v23 =	vmul.u32 $0x14, v23;
	[tilespmem:v50+s18+$0x0] =	vst.idx.add.f32.msk $0xffff, v2;
	v21 =	vmul.u32 $0x14, v21;
	v18 =	vadd.s32 v16, v18  }
0x290: {  	v53 =	vor.u32 $0xC200, v7;
	v63 =	vmul.u32 $0x14, v31;
	v6 =	vld.idx.msk [tilespmem:v6+s2+$0x0], $0xffff;
	v28 =	vadd.s32 v28, v25  }
0x291: {  	v23 =	vadd.s32 v23, v29;
	v62 =	vld.idx.msk [tilespmem:v57+s2+$0x0], $0xffff;
	v54 =	vmul.u32 $0x14, v28;
	v21 =	vadd.s32 v20, v21  }
0x292: {  	v55 =	vor.u32 $0xC200, v11;
	v23 =	vmul.u32 $0x14, v23;
	[tilespmem:v27+s18+$0x0] =	vst.idx.add.f32.msk $0xffff, v2  }
0x293: {  	v17 =	vmul.u32 $0x14, v17;
	v28 =	vadd.s32 v63, v19;
	v15 =	vld.idx.msk [tilespmem:v51+s2+$0x0], $0xffff;
	v22 =	vadd.s32 v52, v54  }
0x294: {  	v56 =	vor.u32 $0xC200, v12;
	v28 =	vmul.u32 $0x14, v28;
	[tilespmem:v18+s18+$0x0] =	vst.idx.add.f32.msk $0xffff, v2  }
0x295: {  	v58 =	vmul.u32 $0x14, v34;
	v23 =	vadd.s32 v6, v23;
	v17 =	vadd.s32 v17, v26;
	v30 =	vld.idx.msk [tilespmem:v53+s2+$0x0], $0xffff  }
0x296: {  	v17 =	vmul.u32 $0x14, v17;
	v37 =	vadd.s32 v62, v28;
	[tilespmem:v21+s18+$0x0] =	vst.idx.add.f32.msk $0xffff, v2  }
0x297: {  	v3 =	vor.u32 $0xC300, v3;
	v24 =	vmul.u32 $0x14, v24;
	v33 =	vadd.s32 v58, v16;
	v27 =	vld.idx.msk [tilespmem:v55+s2+$0x0], $0xffff  }
0x298: {  	v33 =	vmul.u32 $0x14, v33;
	v17 =	vadd.s32 v15, v17;
	[tilespmem:v22+s18+$0x0] =	vst.idx.add.f32.msk $0xffff, v2  }
0x299: {  	v8 =	vor.u32 $0xC280, v8;
	v61 =	vmul.u32 $0x14, v25;
	v60 =	vadd.s32 v24, v20;
	v18 =	vld.idx.msk [tilespmem:v56+s2+$0x0], $0xffff  }
0x29a: {  	[tilespmem:v23+s18+$0x0] =	vst.idx.add.f32.msk $0xffff, v2;
	v34 =	vadd.s32 v30, v33;
	v22 =	vmul.u32 $0x14, v60  }
0x29b: {  	v35 =	vor.u32 $0xC280, v7;
	[tilespmem:v37+s18+$0x0] =	vst.idx.add.f32.msk $0xffff, v2;
	v24 =	vadd.s32 v61, v52  }
0x29c: {  	v3 =	vld.idx.msk [tilespmem:v3+s2+$0x0], $0xffff;
	v24 =	vmul.u32 $0x14, v24;
	v22 =	vadd.s32 v27, v22  }
0x29d: {  	v11 =	vor.u32 $0xC280, v11;
	v19 =	vmul.u32 $0x14, v19;
	[tilespmem:v17+s18+$0x0] =	vst.idx.add.f32.msk $0xffff, v2  }
0x29e: {  	v36 =	vmul.u32 $0x14, v26;
	v8 =	vld.idx.msk [tilespmem:v8+s2+$0x0], $0xffff;
	v24 =	vadd.s32 v18, v24  }
0x29f: {  	v39 =	vor.u32 $0xC280, v12;
	v19 =	vadd.s32 v19, v62;
	[tilespmem:v34+s18+$0x0] =	vst.idx.add.f32.msk $0xffff, v2  }
0x2a0: {  	v16 =	vmul.u32 $0x14, v16;
	v19 =	vmul.u32 $0x14, v19;
	v17 =	vadd.s32 v36, v15;
	v23 =	vld.idx.msk [tilespmem:v35+s2+$0x0], $0xffff  }
0x2a1: {  	v59 =	vor.u32 $0xC300, v4;
	v17 =	vmul.u32 $0x14, v17;
	[tilespmem:v22+s18+$0x0] =	vst.idx.add.f32.msk $0xffff, v2  }
0x2a2: {  	v20 =	vmul.u32 $0x14, v20;
	v16 =	vadd.s32 v16, v30;
	v19 =	vadd.s32 v3, v19;
	v11 =	vld.idx.msk [tilespmem:v11+s2+$0x0], $0xffff  }
0x2a3: {  	v16 =	vmul.u32 $0x14, v16;
	v17 =	vadd.s32 v8, v17;
	[tilespmem:v24+s18+$0x0] =	vst.idx.add.f32.msk $0xffff, v2  }
0x2a4: {  	v41 =	vor.u32 $0xC300, v9;
	v43 =	vmul.u32 $0x14, v52;
	v20 =	vadd.s32 v20, v27;
	v42 =	vld.idx.msk [tilespmem:v39+s2+$0x0], $0xffff  }
0x2a5: {  	v20 =	vmul.u32 $0x14, v20;
	v16 =	vadd.s32 v23, v16  }
0x2a6: {  	v7 =	vor.u32 $0xC300, v7;
	v21 =	vld.idx.msk [tilespmem:v59+s2+$0x0], $0xffff;
	v44 =	vadd.s32 v43, v18  }
0x2a7: {  	v29 =	vmul.u32 $0x14, v29;
	[tilespmem:v19+s18+$0x0] =	vst.idx.add.f32.msk $0xffff, v2;
	v45 =	vmul.u32 $0x14, v44;
	v20 =	vadd.s32 v11, v20  }
0x2a8: {  	v46 =	vor.u32 $0xC300, v13;
	[tilespmem:v17+s18+$0x0] =	vst.idx.add.f32.msk $0xffff, v2  }
0x2a9: {  	v38 =	vadd.s32 v29, v6;
	v15 =	vmul.u32 $0x14, v15;
	v24 =	vld.idx.msk [tilespmem:v41+s2+$0x0], $0xffff;
	v22 =	vadd.s32 v42, v45  }
0x2aa: {  	v12 =	vor.u32 $0xC300, v12;
	v28 =	vmul.u32 $0x14, v38;
	[tilespmem:v16+s18+$0x0] =	vst.idx.add.f32.msk $0xffff, v2  }
0x2ab: {  	v5 =	vor.u32 $0xC380, v5;
	v47 =	vmul.u32 $0x14, v30;
	v15 =	vadd.s32 v15, v8;
	v7 =	vld.idx.msk [tilespmem:v7+s2+$0x0], $0xffff  }
0x2ac: {  	v40 =	vadd.s32 v21, v28;
	v15 =	vmul.u32 $0x14, v15;
	[tilespmem:v20+s18+$0x0] =	vst.idx.add.f32.msk $0xffff, v2  }
0x2ad: {  	v4 =	vor.u32 $0xC380, v4;
	v48 =	vmul.u32 $0x14, v27;
	v16 =	vadd.s32 v47, v23;
	v17 =	vld.idx.msk [tilespmem:v46+s2+$0x0], $0xffff  }
0x2ae: {  	v16 =	vmul.u32 $0x14, v16;
	v15 =	vadd.s32 v24, v15;
	[tilespmem:v22+s18+$0x0] =	vst.idx.add.f32.msk $0xffff, v2  }
0x2af: {  	v9 =	vor.u32 $0xC380, v9;
	v18 =	vmul.u32 $0x14, v18;
	v20 =	vadd.s32 v48, v11;
	v12 =	vld.idx.msk [tilespmem:v12+s2+$0x0], $0xffff  }
0x2b0: {  	v5 =	vld.idx.msk [tilespmem:v5+s2+$0x0], $0xffff;
	v20 =	vmul.u32 $0x14, v20;
	v16 =	vadd.s32 v7, v16  }
0x2b1: {  	v10 =	vor.u32 $0xC380, v10;
	[tilespmem:v40+s18+$0x0] =	vst.idx.add.f32.msk $0xffff, v2;
	v18 =	vadd.s32 v18, v42  }
0x2b2: {  	v4 =	vld.idx.msk [tilespmem:v4+s2+$0x0], $0xffff;
	v18 =	vmul.u32 $0x14, v18;
	v49 =	vadd.s32 v17, v20  }
0x2b3: {  	v13 =	vor.u32 $0xC380, v13;
	v6 =	vmul.u32 $0x14, v6;
	[tilespmem:v15+s18+$0x0] =	vst.idx.add.f32.msk $0xffff, v2  }
0x2b4: {  	v9 =	vld.idx.msk [tilespmem:v9+s2+$0x0], $0xffff;
	v50 =	vadd.s32 v12, v18  }
0x2b5: {  	v14 =	vor.u32 $0xC380, v14;
	v6 =	vadd.s32 v6, v21;
	[tilespmem:v16+s18+$0x0] =	vst.idx.add.f32.msk $0xffff, v2  }
0x2b6: {  	v51 =	vmul.u32 $0x14, v62;
	v6 =	vmul.u32 $0x14, v6;
	v10 =	vld.idx.msk [tilespmem:v10+s2+$0x0], $0xffff  }
0x2b7: {  	v8 =	vmul.u32 $0x14, v8;
	[tilespmem:v49+s18+$0x0] =	vst.idx.add.f32.msk $0xffff, v2  }
0x2b8: {  	v3 =	vadd.s32 v51, v3;
	v4 =	vadd.s32 v4, v6;
	v6 =	vmul.u32 $0x14, v23;
	v13 =	vld.idx.msk [tilespmem:v13+s2+$0x0], $0xffff  }
0x2b9: {  	v3 =	vmul.u32 $0x14, v3;
	v8 =	vadd.s32 v8, v24;
	v11 =	vmul.u32 $0x14, v11;
	[tilespmem:v50+s18+$0x0] =	vst.idx.add.f32.msk $0xffff, v2  }
0x2ba: {  	v8 =	vmul.u32 $0x14, v8;
	v52 =	vmul.u32 $0x14, v42;
	v6 =	vadd.s32 v6, v7;
	v7 =	vld.idx.msk [tilespmem:v14+s2+$0x0], $0xffff  }
0x2bb: {  	v3 =	vadd.s32 v5, v3;
	v5 =	vmul.u32 $0x14, v6;
	v6 =	vadd.s32 v11, v17  }
0x2bc: {  	v6 =	vmul.u32 $0x14, v6;
	v8 =	vadd.s32 v9, v8;
	v9 =	vadd.s32 v52, v12  }
0x2bd: {  	v9 =	vmul.u32 $0x14, v9;
	v5 =	vadd.s32 v10, v5  }
0x2be: {  	v6 =	vadd.s32 v13, v6  }
0x2bf: {  	[tilespmem:v4+s18+$0x0] =	vst.idx.add.f32.msk $0xffff, v2;
	v4 =	vadd.s32 v7, v9  }
0x2c0: {  	[tilespmem:v3+s18+$0x0] =	vst.idx.add.f32.msk $0xffff, v2  }
0x2c1: {  	[tilespmem:v8+s18+$0x0] =	vst.idx.add.f32.msk $0xffff, v2  }
0x2c2: {  	[tilespmem:v5+s18+$0x0] =	vst.idx.add.f32.msk $0xffff, v2  }
0x2c3: {  	[tilespmem:v6+s18+$0x0] =	vst.idx.add.f32.msk $0xffff, v2  }
0x2c4: {  	[tilespmem:v4+s18+$0x0] =	vst.idx.add.f32.msk $0xffff, v2  }
0x2c5: {  	[spmem:s4] =	stream.linear.scatter [tilespmem:s18], [sflag:$0x2], $0x2000, $0x38;
	[tilespmem:$0x16400] =	vst v63  }
0x2c6: {  	_ =	swait.ge [sflag:s19], $0x2000  }
0x2c7: {  	[sflag:s19] =	ssyncset.done $0x0  }
0x2c8: {  	[sflag:s19] =	ssyncadd.s32 $0xFFFFE000  }
0x2c9: {  	[bflag:$0x0] =	sbarrier.arrive $0xFFFF  }
0x2ca: {  	[tilespmem:s20], [sflag:$0x2] =	stream.linear.gather [spmem:s5], $0x400, $0x38;
	[tilespmem:$0x16400] =	vst v63  }
0x2cb: {  	_ =	swait.ge [sflag:s19], $0x400  }
0x2cc: {  	[sflag:s19] =	ssyncset.done $0x0  }
0x2cd: {  	[sflag:s19] =	ssyncadd.s32 $0xFFFFFC00  }
0x2ce: {  	[tilespmem:s21], [sflag:$0x2] =	stream.linear.gather [spmem:s6], $0x400, $0x38;
	[tilespmem:$0x16400] =	vst v63  }
0x2cf: {  	_ =	swait.ge [sflag:s19], $0x400  }
0x2d0: {  	[sflag:s19] =	ssyncset.done $0x0  }
0x2d1: {  	[sflag:s19] =	ssyncadd.s32 $0xFFFFFC00  }
0x2d2: {  	[tilespmem:s22], [sflag:$0x2] =	stream.linear.gather [spmem:s7], $0x400, $0x38;
	[tilespmem:$0x16400] =	vst v63  }
0x2d3: {  	_ =	swait.ge [sflag:s19], $0x400  }
0x2d4: {  	[sflag:s19] =	ssyncset.done $0x0  }
0x2d5: {  	[sflag:s19] =	ssyncadd.s32 $0xFFFFFC00  }
0x2d6: {  	[tilespmem:s23], [sflag:$0x2] =	stream.linear.gather [spmem:s8], $0x400, $0x38;
	[tilespmem:$0x16400] =	vst v63  }
0x2d7: {  	_ =	swait.ge [sflag:s19], $0x400  }
0x2d8: {  	[sflag:s19] =	ssyncset.done $0x0  }
0x2d9: {  	[sflag:s19] =	ssyncadd.s32 $0xFFFFFC00  }
0x2da: {  	[tilespmem:s24], [sflag:$0x2] =	stream.linear.gather [spmem:s9], $0x400, $0x38;
	[tilespmem:$0x16400] =	vst v63  }
0x2db: {  	_ =	swait.ge [sflag:s19], $0x400  }
0x2dc: {  	[sflag:s19] =	ssyncset.done $0x0  }
0x2dd: {  	[sflag:s19] =	ssyncadd.s32 $0xFFFFFC00  }
0x2de: {  	[tilespmem:s25], [sflag:$0x2] =	stream.linear.gather [spmem:s10], $0x400, $0x38;
	[tilespmem:$0x16400] =	vst v63  }
0x2df: {  	_ =	swait.ge [sflag:s19], $0x400  }
0x2e0: {  	[sflag:s19] =	ssyncset.done $0x0  }
0x2e1: {  	[sflag:s19] =	ssyncadd.s32 $0xFFFFFC00  }
0x2e2: {  	[tilespmem:s26], [sflag:$0x2] =	stream.linear.gather [spmem:s11], $0x400, $0x38;
	[tilespmem:$0x16400] =	vst v63  }
0x2e3: {  	_ =	swait.ge [sflag:s19], $0x400  }
0x2e4: {  	[sflag:s19] =	ssyncset.done $0x0  }
0x2e5: {  	[sflag:s19] =	ssyncadd.s32 $0xFFFFFC00  }
0x2e6: {  	[tilespmem:s28], [sflag:$0x2] =	stream.linear.gather [spmem:s12], $0x400, $0x38;
	[tilespmem:$0x16400] =	vst v63  }
0x2e7: {  	_ =	swait.ge [sflag:s19], $0x400  }
0x2e8: {  	[sflag:s19] =	ssyncset.done $0x0  }
0x2e9: {  	s31 =	simm.s32 $0x13010;
	s1 =	simm.s32 $0x0;
	[sflag:s19] =	ssyncadd.s32 $0xFFFFFC00  }
0x2ea: {  	s0 =	sand.u32 $0x3C0, s1;
	v3 =	vld [tilespmem:s31+$0xFFFFEFF0]  }
0x2eb: {  	v4 =	vld [tilespmem:s0+$0x12400]  }
0x2ec: {  	v5 =	vld [tilespmem:s31+$0xFFFFF000]  }
0x2ed: {  	v6 =	vld [tilespmem:s0+$0x12800]  }
0x2ee: {  	v7 =	vld [tilespmem:s31+$0xFFFFF400]  }
0x2ef: {  	v8 =	vld [tilespmem:s0+$0x12C00]  }
0x2f0: {  	v9 =	vld [tilespmem:s31+$0xFFFFF010]  }
0x2f1: {  	v10 =	vld [tilespmem:s0+$0x13000]  }
0x2f2: {  	v11 =	vld [tilespmem:s31+$0xFFFFF410]  }
0x2f3: {  	v53 =	vld [tilespmem:s0+$0x13400]  }
0x2f4: {  	v54 =	vld [tilespmem:s31+$0xFFFFF020]  }
0x2f5: {  	v55 =	vld [tilespmem:s0+$0x13800]  }
0x2f6: {  	v56 =	vld [tilespmem:s31+$0xFFFFF420]  }
0x2f7: {  	v57 =	vld [tilespmem:s0+$0x13C00]  }
0x2f8: {  	v58 =	vld [tilespmem:s31+$0xFFFFF800]  }
0x2f9: {  	v59 =	vld [tilespmem:s31+$0xFFFFF820];
	v3 =	vadd.f32 v4, v3  }
0x2fa: {  	v60 =	vld [tilespmem:s31+$0xFFFFFC10]  }
0x2fb: {  	v61 =	vld [tilespmem:s31+$0x0];
	v3 =	vadd.f32 v6, v3  }
0x2fc: {  	v62 =	vld [tilespmem:s31+$0x400]  }
0x2fd: {  	v4 =	vld [tilespmem:s31+$0xFFFFF810];
	v3 =	vadd.f32 v8, v3  }
0x2fe: {  	v6 =	vld [tilespmem:s31+$0xFFFFFC00]  }
0x2ff: {  	v5 =	vadd.f32 v7, v5;
	v8 =	vld [tilespmem:s31+$0xFFFFFC20];
	v3 =	vadd.f32 v10, v3  }
0x300: {  	v7 =	vld [tilespmem:s31+$0x10];
	v9 =	vadd.f32 v11, v9;
	v10 =	vadd.f32 v56, v54  }
0x301: {  	v11 =	vld [tilespmem:s31+$0x20];
	v5 =	vadd.f32 v58, v5;
	v3 =	vadd.f32 v53, v3  }
0x302: {  	v63 =	vld [tilespmem:s31+$0x420];
	v4 =	vadd.f32 v4, v9;
	v9 =	vadd.f32 v59, v10  }
0x303: {  	v5 =	vadd.f32 v6, v5;
	v10 =	vld [tilespmem:s31+$0x410];
	v3 =	vadd.f32 v55, v3  }
0x304: {  	v6 =	vadd.f32 v60, v4;
	v4 =	vld [tilespmem:s31+$0x800];
	v8 =	vadd.f32 v8, v9  }
0x305: {  	v9 =	vadd.f32 v61, v5;
	v14 =	vadd.f32 v57, v3;
	v3 =	vld [tilespmem:s31+$0x810]  }
0x306: {  	v7 =	vadd.f32 v7, v6;
	v5 =	vld [tilespmem:s31+$0x820];
	v11 =	vadd.f32 v11, v8  }
0x307: {  	s0 =	simm.s32 $0x14020;
	v6 =	vld [tilespmem:s31+$0xC00];
	v9 =	vadd.f32 v62, v9  }
0x308: {  	v8 =	vadd.f32 v10, v7;
	v7 =	vld [tilespmem:s31+$0xC10];
	[tilespmem:s0+$0xFFFFFFE0] =	vst v14;
	v10 =	vadd.f32 v63, v11  }
.LBB2_6:
0x309: {  	s1 =	sadd.s32 $0x40, s1;
	v4 =	vadd.f32 v4, v9;
	v9 =	vld [tilespmem:s31+$0xC20];
	s31 =	sadd.s32 $0x40, s31  }
0x30a: {  	v11 =	vld [tilespmem:s31+$0xFFFFEFF0];
	s15 =	sand.u32 $0x3C0, s1;
	p0 =	slt.u32 s1, $0x3C0;
	v3 =	vadd.f32 v3, v8  }
0x30b: {  	v8 =	vld [tilespmem:s15+$0x12400];
	v5 =	vadd.f32 v5, v10  }
0x30c: {  	v10 =	vld [tilespmem:s31+$0xFFFFF000];
	v4 =	vadd.f32 v6, v4  }
0x30d: {  	v6 =	vld [tilespmem:s15+$0x12800];
	v3 =	vadd.f32 v7, v3  }
0x30e: {  	v7 =	vld [tilespmem:s31+$0xFFFFF400];
	[tilespmem:s0+$0xFFFFFFF0] =	vst v4;
	v4 =	vadd.f32 v9, v5  }
0x30f: {  	v5 =	vld [tilespmem:s15+$0x12C00];
	[tilespmem:s0+$0x0] =	vst v3  }
0x310: {  	v3 =	vadd.f32 v8, v11;
	v8 =	vld [tilespmem:s31+$0xFFFFF010];
	[tilespmem:s0+$0x10] =	vst v4  }
0x311: {  	v4 =	vld [tilespmem:s15+$0x13000]  }
0x312: {  	v3 =	vadd.f32 v6, v3;
	v6 =	vld [tilespmem:s31+$0xFFFFF410]  }
0x313: {  	v9 =	vld [tilespmem:s15+$0x13400];
	v7 =	vadd.f32 v7, v10  }
0x314: {  	v3 =	vadd.f32 v5, v3;
	v5 =	vld [tilespmem:s31+$0xFFFFF020]  }
0x315: {  	v10 =	vld [tilespmem:s15+$0x13800]  }
0x316: {  	v3 =	vadd.f32 v4, v3;
	v4 =	vld [tilespmem:s31+$0xFFFFF420]  }
0x317: {  	v11 =	vld [tilespmem:s15+$0x13C00];
	v6 =	vadd.f32 v6, v8  }
0x318: {  	v3 =	vadd.f32 v9, v3;
	v8 =	vld [tilespmem:s31+$0xFFFFF800]  }
0x319: {  	v9 =	vld [tilespmem:s31+$0xFFFFF810]  }
0x31a: {  	v3 =	vadd.f32 v10, v3;
	v10 =	vld [tilespmem:s31+$0xFFFFF820]  }
0x31b: {  	v12 =	vld [tilespmem:s31+$0xFFFFFC00];
	v4 =	vadd.f32 v4, v5  }
0x31c: {  	v3 =	vadd.f32 v11, v3;
	v5 =	vld [tilespmem:s31+$0xFFFFFC10]  }
0x31d: {  	s0 =	sadd.s32 $0x40, s0;
	v7 =	vadd.f32 v8, v7;
	v8 =	vld [tilespmem:s31+$0xFFFFFC20]  }
0x31e: {  	[tilespmem:s0+$0xFFFFFFE0] =	vst v3;
	v3 =	vld [tilespmem:s31+$0x0];
	v6 =	vadd.f32 v9, v6  }
0x31f: {  	v9 =	vld [tilespmem:s31+$0x10];
	v4 =	vadd.f32 v10, v4  }
0x320: {  	v7 =	vadd.f32 v12, v7;
	v10 =	vld [tilespmem:s31+$0x20]  }
0x321: {  	v11 =	vld [tilespmem:s31+$0x400];
	v5 =	vadd.f32 v5, v6  }
0x322: {  	v12 =	vld [tilespmem:s31+$0x410];
	v6 =	vadd.f32 v8, v4  }
0x323: {  	v7 =	vadd.f32 v3, v7;
	v13 =	vld [tilespmem:s31+$0x420]  }
.Ltmp2:
0x324: {  	v4 =	vld [tilespmem:s31+$0x800];
	v8 =	vadd.f32 v9, v5;
	(pc) =	sbr.rel @p0 .LBB2_6-.Ltmp2, $4  }
0x325: {  	v3 =	vld [tilespmem:s31+$0x810];
	v10 =	vadd.f32 v10, v6  }
0x326: {  	v9 =	vadd.f32 v11, v7;
	v5 =	vld [tilespmem:s31+$0x820]  }
0x327: {  	v6 =	vld [tilespmem:s31+$0xC00];
	v8 =	vadd.f32 v12, v8  }
0x328: {  	v7 =	vld [tilespmem:s31+$0xC10];
	v10 =	vadd.f32 v13, v10  }
0x329: {  	v11 =	vld [tilespmem:s31+$0xC20]  }
0x32a: {  	v4 =	vadd.f32 v4, v9  }
0x32b: {  	v3 =	vadd.f32 v3, v8  }
0x32c: {  	v5 =	vadd.f32 v5, v10;
	v4 =	vadd.f32 v6, v4  }
0x32d: {  	v3 =	vadd.f32 v7, v3  }
0x32e: {  	s30 =	sadd.s32 $0x1, s30;
	[tilespmem:s0+$0xFFFFFFF0] =	vst v4;
	v63 =	vadd.f32 v11, v5  }
0x32f: {  	p0 =	sne.s32 s30, s14;
	[tilespmem:s0+$0x0] =	vst v3  }
.Ltmp3:
0x330: {  	[tilespmem:s0+$0x10] =	vst v63;
	(pc) =	sbr.rel @p0 .LBB2_1-.Ltmp3, $4  }
0x331: {  	[hbm4b:s13+s2] =	stream.linear.scatter [tilespmem:s29], [sflag:$0x2], $0x400, $0x38;
	[tilespmem:$0x16400] =	vst v63  }
0x332: {  	_ =	swait.ge [sflag:s19], $0x400  }
0x333: {  	[sflag:s19] =	ssyncset.done $0x0  }
0x334: {  	[sflag:s19] =	ssyncadd.s32 $0xFFFFFC00  }
0x335: {  	_ =	sfence.sel $0x180000  }
0x336: {  	[bflag:$0x0] =	sbarrier.arrive $0xFFFF  }
0x337: {  	_ =	strace $0x90000047  }
0x338: {  	s0 =	stileid.u32;
	[bflag:$0x2] =	sbarrier.arrive $0xFFFF  }
0x339: {  	p0 =	sne.s32 s0, $0x0;
	s0 =	rddreg [dreg:$0x3]  }
0x33a: {  	s0 =	sadd.s32 @!p0 $0x100000, s0  }
0x33b: {  	[sflag:s0] =	ssyncadd.tile.s32 @!p0 $0x1;
	_ =	shalt  }
.Lfunc_end2:
_tile_overlayer_lowered:
.L_overlay_start_2:
0x33c: {  	(tag) =	ssettag $0x2  }
0x33d: {  	s0 =	rddreg [dreg:$0x0];
	s2 =	stileid.u32  }
0x33e: {  	s1 =	rddreg [dreg:$0x1];
	p0 =	sne.s32 s2, $0x0  }
0x33f: {  	s3 =	rddreg [dreg:$0x2];
	[bflag:$0x3] =	sbarrier.arrive $0xFFFF;
	s2 =	simm.s32 @!p0 $0x1C02  }
0x340: {  	[timem:s3], [sflag:s2] =	dma.local @!p0 [hbm:s0], s1  }
0x341: {  	s0 =	simm.s32 @!p0 $0x2  }
0x342: {  	_ =	swait.ge @!p0 [sflag:s0], s1  }
0x343: {  	s1 =	ssub.s32 @!p0 $0x0, s1;
	[sflag:s0] =	ssyncset.done @!p0 $0x0  }
0x344: {  	[sflag:s0] =	ssyncadd.s32 @!p0 s1  }
0x345: {  	[bflag:$0x3] =	sbarrier.arrive $0xFFFF  }
0x346: {  	_ =	shalt  }

</sc_bundles>
